<compile_context>
chip_gen: v7x
topology: tpu7x:2x2x1
jax: 0.10.2.dev20260603
libtpu: 0.0.44.dev20260713+nightly
codegen_flags: <defaults>
</compile_context>

<pallas_src>
import functools

import jax
import jax.numpy as jnp
from jax import lax
from jax.experimental import pallas as pl
from jax.experimental.pallas import tpu as pltpu
from jax.experimental.pallas import tpu_sc as plsc

NUM_CLASSES = 80
K = 300
NQ = 1000
N_FLAT = 80000
NCHUNK = 625
NLANE = 128
ROWS_PER_STEP = 8
CAND_W = 304
NC, NS = 2, 16
GATHER_CHUNKS = ((0, 128), (128, 128), (256, 48))



def _stage_a_body(x_ref, bx_ref, hw_ref, cs_ref, cif_ref, ab_ref):
    h = hw_ref[0]
    w = hw_ref[1]

    s = jax.nn.sigmoid(x_ref[...])

    def count_gt(mid_i32):
        midf = lax.bitcast_convert_type(mid_i32, jnp.float32)
        c = (s > midf).astype(jnp.int32)
        c = jnp.sum(c, axis=1, keepdims=True)
        return jnp.sum(c, axis=2, keepdims=True)

    def bs_body(_, carry):
        lo, hi = carry
        active = (hi - lo) > 1
        mid = (lo + hi) // 2
        ge_k = count_gt(mid) >= K
        lo = jnp.where(active & ge_k, mid, lo)
        hi = jnp.where(active & jnp.logical_not(ge_k), mid, hi)
        return lo, hi

    shp = (ROWS_PER_STEP, 1, 1)
    lo0 = jnp.full(shp, -1, jnp.int32)
    hi0 = jnp.full(shp, 1 << 30, jnp.int32)
    _, hi = lax.fori_loop(0, 31, bs_body, (lo0, hi0))
    thr = lax.bitcast_convert_type(hi, jnp.float32)
    keq = (K - count_gt(hi)).astype(jnp.float32)

    f32 = jnp.float32
    dnT = (((1,), (1,)), ((), ()))
    dn = (((1,), (0,)), ((), ()))

    ci = lax.broadcasted_iota(jnp.int32, (NCHUNK, NCHUNK), 0)
    cj = lax.broadcasted_iota(jnp.int32, (NCHUNK, NCHUNK), 1)
    m_incl = (cj <= ci).astype(f32)
    m_strict = (cj < ci).astype(f32)
    li = lax.broadcasted_iota(jnp.int32, (NLANE, NLANE), 0)
    lj = lax.broadcasted_iota(jnp.int32, (NLANE, NLANE), 1)
    lt_strict = (li > lj).astype(f32)
    lt_up = (li < lj).astype(f32)
    ones_c = jnp.ones((1, NCHUNK), f32)
    ones_l1 = jnp.ones((NLANE, 1), f32)
    piota = lax.broadcasted_iota(jnp.int32, (CAND_W, NLANE), 0).astype(f32)
    laneval = lax.broadcasted_iota(jnp.int32, (1, NLANE), 1).astype(f32)
    chunkval = lax.broadcasted_iota(jnp.int32, (CAND_W, NCHUNK), 1).astype(f32)

    def mm(a, b, dnum, exact=True):
        prec = lax.Precision.HIGHEST if exact else lax.Precision.DEFAULT
        return lax.dot_general(a, b, dnum, preferred_element_type=f32,
                               precision=prec)

    for r in range(ROWS_PER_STEP):
        sr = s[r]
        thr_r = thr[r]
        keq_r = keq[r]
        gt = (sr > thr_r).astype(f32)
        eq = (sr == thr_r).astype(f32)

        chunk_eq_tot = mm(eq, ones_l1, dn, exact=False)
        chunk_eq_pre = mm(m_strict, chunk_eq_tot, dn, exact=False)
        lane_eq_pre = mm(eq, lt_up, dn, exact=False)
        eq_pre = chunk_eq_pre + lane_eq_pre
        take = gt + eq * (eq_pre < keq_r).astype(f32)

        lane_tot = mm(ones_c, take, dn, exact=False)
        lane_pre = mm(lane_tot, lt_strict, dn)
        col_incl = mm(m_incl, take, dn, exact=False)
        col_excl = col_incl - take

        ls = ((lane_pre <= piota) &
              (piota < lane_pre + lane_tot)).astype(f32)
        lane_of_p = mm(ls, laneval, dnT, exact=False)
        rank_of_p = jnp.sum(ls * piota, axis=1, keepdims=True) - \
            mm(ls, lane_pre, dnT)

        g_sco = mm(ls, sr, dnT)
        g_cum = mm(ls, col_excl, dnT)
        g_tak = mm(ls, take, dnT, exact=False)
        sel = g_tak * (g_cum == rank_of_p).astype(f32)
        sco_p = jnp.sum(sel * g_sco, axis=1, keepdims=True)
        idx_p = jnp.sum(sel * chunkval, axis=1, keepdims=True) * \
            float(NLANE) + lane_of_p

        cs_ref[r, :, :] = sco_p
        cif_ref[r, :, :] = idx_p

    b = bx_ref[...]
    xc = b[:, 0:1, :] * w
    yc = b[:, 1:2, :] * h
    bw = b[:, 2:3, :] * w
    bh = b[:, 3:4, :] * h
    x_min = jnp.maximum(jnp.floor(xc - bw / 2), 1.0)
    y_min = jnp.maximum(jnp.floor(yc - bh / 2), 1.0)
    x_max = jnp.minimum(jnp.ceil(xc + bw / 2), w - 1.0)
    y_max = jnp.minimum(jnp.ceil(yc + bh / 2), h - 1.0)
    ab_ref[...] = jnp.concatenate([x_min, y_min, x_max, y_max], axis=1)


def _stage_a(x3, boxes_t, hw):
    B = x3.shape[0]
    grid = (B // ROWS_PER_STEP,)
    blk = lambda b: (b, 0, 0)
    return pl.pallas_call(
        _stage_a_body,
        grid=grid,
        in_specs=[
            pl.BlockSpec((ROWS_PER_STEP, NCHUNK, NLANE), blk),
            pl.BlockSpec((ROWS_PER_STEP, 4, NQ), blk),
            pl.BlockSpec(memory_space=pltpu.SMEM),
        ],
        out_specs=[
            pl.BlockSpec((ROWS_PER_STEP, CAND_W, 1), blk),
            pl.BlockSpec((ROWS_PER_STEP, CAND_W, 1), blk),
            pl.BlockSpec((ROWS_PER_STEP, 4, NQ), blk),
        ],
        out_shape=[
            jax.ShapeDtypeStruct((B, CAND_W, 1), jnp.float32),
            jax.ShapeDtypeStruct((B, CAND_W, 1), jnp.float32),
            jax.ShapeDtypeStruct((B, 4, NQ), jnp.float32),
        ],
    )(x3, boxes_t, hw)



def _stage_b_body(cs_ref, ci_ref, lab_ref, sco_ref, gid_ref):
    b = pl.program_id(0)
    f32 = jnp.float32
    scol = cs_ref[0][:K, :]
    icol = ci_ref[0][:K, :]
    ones_k1 = jnp.ones((K, 1), f32)
    dnT = (((1,), (1,)), ((), ()))

    def mm(a, bb):
        return lax.dot_general(a, bb, dnT, preferred_element_type=f32,
                               precision=lax.Precision.HIGHEST)

    colmat = mm(scol, ones_k1)
    rowmat = mm(ones_k1, scol)
    colidx = mm(icol, ones_k1)
    rowidx = mm(ones_k1, icol)
    jj = lax.broadcasted_iota(jnp.int32, (K, K), 1)
    beats = jnp.logical_or(rowmat > colmat,
                           jnp.logical_and(rowmat == colmat, rowidx < colidx))
    rank = jnp.sum(beats.astype(jnp.int32), axis=1, keepdims=True)
    perm = (rank == jj).astype(f32)
    sco = jnp.sum(perm * colmat, axis=0, keepdims=True)
    idx = jnp.sum(perm * colidx, axis=0, keepdims=True)
    qf = jnp.floor(idx / float(NUM_CLASSES))
    lab = idx - float(NUM_CLASSES) * qf

    lab_ref[...] = lab.astype(jnp.int32)[None]
    sco_ref[...] = sco[None]
    gid = qf.astype(jnp.int32) + b * NQ
    pad = jnp.zeros((1, CAND_W - K), jnp.int32)
    gid_ref[...] = jnp.concatenate([gid, pad], axis=1)[None]


def _stage_b(cs3, ci3):
    B = cs3.shape[0]
    return pl.pallas_call(
        _stage_b_body,
        grid=(B,),
        in_specs=[
            pl.BlockSpec((1, CAND_W, 1), lambda b: (b, 0, 0)),
            pl.BlockSpec((1, CAND_W, 1), lambda b: (b, 0, 0)),
        ],
        out_specs=[
            pl.BlockSpec((1, 1, K), lambda b: (b, 0, 0)),
            pl.BlockSpec((1, 1, K), lambda b: (b, 0, 0)),
            pl.BlockSpec((1, 1, CAND_W), lambda b: (b, 0, 0)),
        ],
        out_shape=[
            jax.ShapeDtypeStruct((B, 1, K), jnp.int32),
            jax.ShapeDtypeStruct((B, 1, K), jnp.float32),
            jax.ShapeDtypeStruct((B, 1, CAND_W), jnp.int32),
        ],
    )(cs3, ci3)



def _make_stage_c(B):
    mesh = plsc.VectorSubcoreMesh(core_axis_name="c", subcore_axis_name="s")

    @functools.partial(
        pl.kernel,
        mesh=mesh,
        out_type=jax.ShapeDtypeStruct((B * CAND_W, 128), jnp.float32),
        scratch_types=[
            pltpu.VMEM((CAND_W,), jnp.int32),
            pltpu.VMEM((CAND_W, 128), jnp.float32),
            pltpu.SemaphoreType.DMA,
        ],
    )
    def stage_c(table_hbm, gid_hbm, out_hbm, idx_v, rows_v, sem):
        wid = lax.axis_index("s") * NC + lax.axis_index("c")
        base = wid * CAND_W
        pltpu.sync_copy(gid_hbm.at[pl.ds(base, CAND_W)], idx_v)
        copies = []
        for off, sz in GATHER_CHUNKS:
            copies.append(pltpu.async_copy(
                table_hbm.at[idx_v.at[pl.ds(off, sz)]],
                rows_v.at[pl.ds(off, sz)], sem))
        for c in copies:
            c.wait()
        pltpu.sync_copy(rows_v, out_hbm.at[pl.ds(base, CAND_W)])

    return stage_c



def kernel(pred_logits, pred_boxes, input_h, input_w):
    B, Q, C = pred_logits.shape
    assert Q * C == N_FLAT and B % ROWS_PER_STEP == 0 and B == NC * NS

    x3 = pred_logits.reshape(B, NCHUNK, NLANE)
    boxes_t = jnp.swapaxes(pred_boxes, 1, 2)
    hw = jnp.stack([jnp.asarray(input_h, jnp.float32),
                    jnp.asarray(input_w, jnp.float32)])

    cs3, ci3, absb_t = _stage_a(x3, boxes_t, hw)
    lab3, sco3, gid3 = _stage_b(cs3, ci3)

    absb_rows = jnp.swapaxes(absb_t, 1, 2).reshape(B * NQ, 4)
    absb_rows = jnp.pad(absb_rows, ((0, 0), (0, 124)))
    boxes_rows = _make_stage_c(B)(absb_rows, gid3.reshape(B * CAND_W))

    topk_labels = lab3.reshape(B, K)
    topk_boxes = boxes_rows.reshape(B, CAND_W, 128)[:, :K, :4]
    topk_scores = sco3.reshape(B, K)
    return (topk_labels, topk_boxes, topk_scores)

# --- scband reference (transcript-rebuilt; emitter-appended) ---
"""Pipeline reference for scband-dfinepost-processor-2671469658375 (READ-ONLY COPY).

The authoritative reference and input builder live on the scoring server;
editing this copy changes nothing except your own understanding.
"""

import jax, jax.numpy as jnp
import numpy as np

NUM_CLASSES = 80
NUM_TOP_QUERIES = 300


def _norm_xywh_to_abs_xyxy(boxes, height, width):
    # boxes: [N, 4] normalized cxcywh -> [N, 4] absolute xyxy (rounded, clamped)
    x_center = boxes[:, 0] * width
    y_center = boxes[:, 1] * height
    box_width = boxes[:, 2] * width
    box_height = boxes[:, 3] * height
    x_min = x_center - box_width / 2
    y_min = y_center - box_height / 2
    x_max = x_center + box_width / 2
    y_max = y_center + box_height / 2
    x_min = jnp.maximum(jnp.floor(x_min), 1.0)
    y_min = jnp.maximum(jnp.floor(y_min), 1.0)
    x_max = jnp.minimum(jnp.ceil(x_max), jnp.asarray(width - 1, x_max.dtype))
    y_max = jnp.minimum(jnp.ceil(y_max), jnp.asarray(height - 1, y_max.dtype))
    return jnp.stack([x_min, y_min, x_max, y_max], axis=1)


def setup_inputs(seed: int = 0) -> dict:
    key = jax.random.key(seed)
    k1, k2 = jax.random.split(key)
    pred_logits = jax.random.normal(k1, (32, 1000, NUM_CLASSES), dtype=jnp.float32)
    pred_boxes = jax.random.uniform(k2, (32, 1000, 4), dtype=jnp.float32)
    return {"pred_logits": pred_logits, "pred_boxes": pred_boxes, "input_h": 640, "input_w": 640}


def reference(pred_logits, pred_boxes, input_h, input_w):
    B, Q, C = pred_logits.shape
    abs_boxes = _norm_xywh_to_abs_xyxy(pred_boxes.reshape(-1, 4), input_h, input_w).reshape(B, Q, 4)
    # use_focal_loss=True path: sigmoid -> flat top-k over Q*C
    scores_all = jax.nn.sigmoid(pred_logits)
    flat = scores_all.reshape(B, Q * C)
    K = min(NUM_TOP_QUERIES, flat.shape[1])
    topk_scores, topk_idx = jax.lax.top_k(flat, K)
    topk_labels = topk_idx % NUM_CLASSES
    topk_qidx = topk_idx // NUM_CLASSES
    topk_boxes = jnp.take_along_axis(abs_boxes, topk_qidx[:, :, None], axis=1)
    return (topk_labels, topk_boxes, topk_scores)

if __name__ == "__main__":
    import jax
    _d = setup_inputs()
    print(jax.jit(kernel)(*tuple(_d.values())))

</pallas_src>

<mosaic_0001>
#map = affine_map<(d0, d1) -> (0, 0)>
#map1 = affine_map<(d0, d1) -> (0)>
module attributes {stable_mosaic.version = 14 : i64} {
  func.func @stage_c(%arg0: i32, %arg1: i32, %arg2: memref<32000x128xf32, #tpu.memory_space<hbm>>, %arg3: memref<9728xi32, #tpu.memory_space<hbm>>, %arg4: memref<9728x128xf32, #tpu.memory_space<hbm>>, %arg5: memref<304xi32, #tpu.memory_space<vmem>>, %arg6: memref<304x128xf32, #tpu.memory_space<vmem>>, %arg7: memref<!tpu.dma_semaphore, #tpu.memory_space<semaphore_mem>>) attributes {dimension_semantics = [#tpu.dimension_semantics<core_parallel>, #tpu.dimension_semantics<subcore_parallel>], iteration_bounds = array<i64: 2, 16>, scalar_prefetch = 0 : i64, scratch_operands = 3 : i64, tpu.core_type = #tpu.core_type<sc_vector_subcore>, window_params = [{transform_indices = #map}, {transform_indices = #map1}, {transform_indices = #map}]} {
    %mul3A = arith.constant 2 : i32
    %mul3A_0 = arith.muli %arg1, %mul3A : i32
    %add3A = arith.addi %mul3A_0, %arg0 : i32
    %mul3A_1 = arith.constant 304 : i32
    %mul3A_2 = arith.muli %add3A, %mul3A_1 : i32
    "tpu.region"() ({
      %run_scoped3A = tpu.sem_alloc : memref<!tpu.dma_semaphore, #tpu.memory_space<semaphore_mem>>
      %dma_start3A_49 = tpu.memref_slice %arg3[%mul3A_2] : memref<9728xi32, #tpu.memory_space<hbm>> -> memref<304xi32, #tpu.memory_space<hbm>>
      %dma_start3A_50 = tpu.memref_slice %arg3[%mul3A_2] : memref<9728xi32, #tpu.memory_space<hbm>> -> memref<304xi32, #tpu.memory_space<hbm>>
      tpu.enqueue_dma source(%dma_start3A_50 : memref<304xi32, #tpu.memory_space<hbm>>) target(%arg5 : memref<304xi32, #tpu.memory_space<vmem>>) target_semaphore(%run_scoped3A : memref<!tpu.dma_semaphore, #tpu.memory_space<semaphore_mem>>)
      %dma_wait3A_51 = tpu.memref_slice %arg3[%mul3A_2] : memref<9728xi32, #tpu.memory_space<hbm>> -> memref<304xi32, #tpu.memory_space<hbm>>
      %dma_wait3A_52 = tpu.memref_slice %arg3[%mul3A_2] : memref<9728xi32, #tpu.memory_space<hbm>> -> memref<304xi32, #tpu.memory_space<hbm>>
      tpu.wait_dma2 semaphore(%run_scoped3A : memref<!tpu.dma_semaphore, #tpu.memory_space<semaphore_mem>>) src(%dma_wait3A_52 : memref<304xi32, #tpu.memory_space<hbm>>) dst(%arg5 : memref<304xi32, #tpu.memory_space<vmem>>)
      tpu.yield
    }) : () -> ()
    %dma_start3A = arith.constant 0 : i32
    %dma_start3A_3 = arith.constant 0 : i32
    %dma_start3A_4 = tpu.memref_slice %arg6[%dma_start3A, %dma_start3A_3] : memref<304x128xf32, #tpu.memory_space<vmem>> -> memref<128x128xf32, #tpu.memory_space<vmem>>
    %dma_start3A_5 = arith.constant 0 : i32
    %dma_start3A_6 = tpu.memref_slice %arg5[%dma_start3A_5] : memref<304xi32, #tpu.memory_space<vmem>> -> memref<128xi32, #tpu.memory_space<vmem>>
    %dma_start3A_7 = arith.constant 0 : i32
    %dma_start3A_8 = arith.constant 0 : i32
    %dma_start3A_9 = tpu.memref_slice %arg2[%dma_start3A_7, %dma_start3A_8] : memref<32000x128xf32, #tpu.memory_space<hbm>> -> memref<32000x128xf32, #tpu.memory_space<hbm>>
    tpu.enqueue_indirect_dma source(%dma_start3A_9 : memref<32000x128xf32, #tpu.memory_space<hbm>>) target(%dma_start3A_4 : memref<128x128xf32, #tpu.memory_space<vmem>>) offsets(%dma_start3A_6 : memref<128xi32, #tpu.memory_space<vmem>>) semaphore(%arg7 : memref<!tpu.dma_semaphore, #tpu.memory_space<semaphore_mem>>)
    %dma_start3A_10 = arith.constant 128 : i32
    %dma_start3A_11 = arith.constant 0 : i32
    %dma_start3A_12 = tpu.memref_slice %arg6[%dma_start3A_10, %dma_start3A_11] : memref<304x128xf32, #tpu.memory_space<vmem>> -> memref<128x128xf32, #tpu.memory_space<vmem>>
    %dma_start3A_13 = arith.constant 128 : i32
    %dma_start3A_14 = tpu.memref_slice %arg5[%dma_start3A_13] : memref<304xi32, #tpu.memory_space<vmem>> -> memref<128xi32, #tpu.memory_space<vmem>>
    %dma_start3A_15 = arith.constant 0 : i32
    %dma_start3A_16 = arith.constant 0 : i32
    %dma_start3A_17 = tpu.memref_slice %arg2[%dma_start3A_15, %dma_start3A_16] : memref<32000x128xf32, #tpu.memory_space<hbm>> -> memref<32000x128xf32, #tpu.memory_space<hbm>>
    tpu.enqueue_indirect_dma source(%dma_start3A_17 : memref<32000x128xf32, #tpu.memory_space<hbm>>) target(%dma_start3A_12 : memref<128x128xf32, #tpu.memory_space<vmem>>) offsets(%dma_start3A_14 : memref<128xi32, #tpu.memory_space<vmem>>) semaphore(%arg7 : memref<!tpu.dma_semaphore, #tpu.memory_space<semaphore_mem>>)
    %dma_start3A_18 = arith.constant 256 : i32
    %dma_start3A_19 = arith.constant 0 : i32
    %dma_start3A_20 = tpu.memref_slice %arg6[%dma_start3A_18, %dma_start3A_19] : memref<304x128xf32, #tpu.memory_space<vmem>> -> memref<48x128xf32, #tpu.memory_space<vmem>>
    %dma_start3A_21 = arith.constant 256 : i32
    %dma_start3A_22 = tpu.memref_slice %arg5[%dma_start3A_21] : memref<304xi32, #tpu.memory_space<vmem>> -> memref<48xi32, #tpu.memory_space<vmem>>
    %dma_start3A_23 = arith.constant 0 : i32
    %dma_start3A_24 = arith.constant 0 : i32
    %dma_start3A_25 = tpu.memref_slice %arg2[%dma_start3A_23, %dma_start3A_24] : memref<32000x128xf32, #tpu.memory_space<hbm>> -> memref<32000x128xf32, #tpu.memory_space<hbm>>
    tpu.enqueue_indirect_dma source(%dma_start3A_25 : memref<32000x128xf32, #tpu.memory_space<hbm>>) target(%dma_start3A_20 : memref<48x128xf32, #tpu.memory_space<vmem>>) offsets(%dma_start3A_22 : memref<48xi32, #tpu.memory_space<vmem>>) semaphore(%arg7 : memref<!tpu.dma_semaphore, #tpu.memory_space<semaphore_mem>>)
    %dma_wait3A = arith.constant 0 : i32
    %dma_wait3A_26 = arith.constant 0 : i32
    %dma_wait3A_27 = tpu.memref_slice %arg6[%dma_wait3A, %dma_wait3A_26] : memref<304x128xf32, #tpu.memory_space<vmem>> -> memref<128x128xf32, #tpu.memory_space<vmem>>
    %dma_wait3A_28 = arith.constant 0 : i32
    %dma_wait3A_29 = tpu.memref_slice %arg5[%dma_wait3A_28] : memref<304xi32, #tpu.memory_space<vmem>> -> memref<128xi32, #tpu.memory_space<vmem>>
    %dma_wait3A_30 = arith.constant 0 : i32
    %dma_wait3A_31 = arith.constant 0 : i32
    %dma_wait3A_32 = tpu.memref_slice %arg2[%dma_wait3A_30, %dma_wait3A_31] : memref<32000x128xf32, #tpu.memory_space<hbm>> -> memref<32000x128xf32, #tpu.memory_space<hbm>>
    tpu.wait_indirect_dma semaphore(%arg7 : memref<!tpu.dma_semaphore, #tpu.memory_space<semaphore_mem>>) src(%dma_wait3A_32 : memref<32000x128xf32, #tpu.memory_space<hbm>>) dst(%dma_wait3A_27 : memref<128x128xf32, #tpu.memory_space<vmem>>)
    %dma_wait3A_33 = arith.constant 128 : i32
    %dma_wait3A_34 = arith.constant 0 : i32
    %dma_wait3A_35 = tpu.memref_slice %arg6[%dma_wait3A_33, %dma_wait3A_34] : memref<304x128xf32, #tpu.memory_space<vmem>> -> memref<128x128xf32, #tpu.memory_space<vmem>>
    %dma_wait3A_36 = arith.constant 128 : i32
    %dma_wait3A_37 = tpu.memref_slice %arg5[%dma_wait3A_36] : memref<304xi32, #tpu.memory_space<vmem>> -> memref<128xi32, #tpu.memory_space<vmem>>
    %dma_wait3A_38 = arith.constant 0 : i32
    %dma_wait3A_39 = arith.constant 0 : i32
    %dma_wait3A_40 = tpu.memref_slice %arg2[%dma_wait3A_38, %dma_wait3A_39] : memref<32000x128xf32, #tpu.memory_space<hbm>> -> memref<32000x128xf32, #tpu.memory_space<hbm>>
    tpu.wait_indirect_dma semaphore(%arg7 : memref<!tpu.dma_semaphore, #tpu.memory_space<semaphore_mem>>) src(%dma_wait3A_40 : memref<32000x128xf32, #tpu.memory_space<hbm>>) dst(%dma_wait3A_35 : memref<128x128xf32, #tpu.memory_space<vmem>>)
    %dma_wait3A_41 = arith.constant 256 : i32
    %dma_wait3A_42 = arith.constant 0 : i32
    %dma_wait3A_43 = tpu.memref_slice %arg6[%dma_wait3A_41, %dma_wait3A_42] : memref<304x128xf32, #tpu.memory_space<vmem>> -> memref<48x128xf32, #tpu.memory_space<vmem>>
    %dma_wait3A_44 = arith.constant 256 : i32
    %dma_wait3A_45 = tpu.memref_slice %arg5[%dma_wait3A_44] : memref<304xi32, #tpu.memory_space<vmem>> -> memref<48xi32, #tpu.memory_space<vmem>>
    %dma_wait3A_46 = arith.constant 0 : i32
    %dma_wait3A_47 = arith.constant 0 : i32
    %dma_wait3A_48 = tpu.memref_slice %arg2[%dma_wait3A_46, %dma_wait3A_47] : memref<32000x128xf32, #tpu.memory_space<hbm>> -> memref<32000x128xf32, #tpu.memory_space<hbm>>
    tpu.wait_indirect_dma semaphore(%arg7 : memref<!tpu.dma_semaphore, #tpu.memory_space<semaphore_mem>>) src(%dma_wait3A_48 : memref<32000x128xf32, #tpu.memory_space<hbm>>) dst(%dma_wait3A_43 : memref<48x128xf32, #tpu.memory_space<vmem>>)
    "tpu.region"() ({
      %run_scoped3A = tpu.sem_alloc : memref<!tpu.dma_semaphore, #tpu.memory_space<semaphore_mem>>
      %dma_start3A_49 = arith.constant 0 : i32
      %dma_start3A_50 = tpu.memref_slice %arg4[%mul3A_2, %dma_start3A_49] : memref<9728x128xf32, #tpu.memory_space<hbm>> -> memref<304x128xf32, #tpu.memory_space<hbm>>
      %dma_start3A_51 = arith.constant 0 : i32
      %dma_start3A_52 = tpu.memref_slice %arg4[%mul3A_2, %dma_start3A_51] : memref<9728x128xf32, #tpu.memory_space<hbm>> -> memref<304x128xf32, #tpu.memory_space<hbm>>
      tpu.enqueue_dma source(%arg6 : memref<304x128xf32, #tpu.memory_space<vmem>>) target(%dma_start3A_52 : memref<304x128xf32, #tpu.memory_space<hbm>>) target_semaphore(%run_scoped3A : memref<!tpu.dma_semaphore, #tpu.memory_space<semaphore_mem>>)
      %dma_wait3A_53 = arith.constant 0 : i32
      %dma_wait3A_54 = tpu.memref_slice %arg4[%mul3A_2, %dma_wait3A_53] : memref<9728x128xf32, #tpu.memory_space<hbm>> -> memref<304x128xf32, #tpu.memory_space<hbm>>
      %dma_wait3A_55 = arith.constant 0 : i32
      %dma_wait3A_56 = tpu.memref_slice %arg4[%mul3A_2, %dma_wait3A_55] : memref<9728x128xf32, #tpu.memory_space<hbm>> -> memref<304x128xf32, #tpu.memory_space<hbm>>
      tpu.wait_dma2 semaphore(%run_scoped3A : memref<!tpu.dma_semaphore, #tpu.memory_space<semaphore_mem>>) src(%arg6 : memref<304x128xf32, #tpu.memory_space<vmem>>) dst(%dma_wait3A_56 : memref<304x128xf32, #tpu.memory_space<hbm>>)
      tpu.yield
    }) : () -> ()
    return
  }
}

module attributes {stable_mosaic.version = 14 : i64} {
  func.func @_stage_a_body(%arg0: i32, %arg1: memref<8x625x128xf32, #tpu.memory_space<vmem>>, %arg2: memref<8x4x1000xf32, #tpu.memory_space<vmem>>, %arg3: memref<2xf32, #tpu.memory_space<smem>>, %arg4: memref<8x304x1xf32, #tpu.memory_space<vmem>>, %arg5: memref<8x304x1xf32, #tpu.memory_space<vmem>>, %arg6: memref<8x4x1000xf32, #tpu.memory_space<vmem>>) attributes {dimension_semantics = [#tpu.dimension_semantics<arbitrary>], iteration_bounds = array<i64: 4>, scalar_prefetch = 0 : i64, scratch_operands = 0 : i64, tpu.core_type = #tpu.core_type<tc>, window_params = [{transform_indices = @transform_0, window_bounds = array<i64: 8, 625, 128>}, {transform_indices = @transform_1, window_bounds = array<i64: 8, 4, 1000>}, {transform_indices = @transform_2, window_bounds = array<i64: 2>}, {transform_indices = @transform_3, window_bounds = array<i64: 8, 304, 1>}, {transform_indices = @transform_4, window_bounds = array<i64: 8, 304, 1>}, {transform_indices = @transform_5, window_bounds = array<i64: 8, 4, 1000>}]} {
    %get3A = arith.constant 0 : index
    %get3A_0 = memref.load %arg3[%get3A] : memref<2xf32, #tpu.memory_space<smem>>
    %get3A_1 = arith.constant 1 : index
    %get3A_2 = memref.load %arg3[%get3A_1] : memref<2xf32, #tpu.memory_space<smem>>
    %get3A_3 = arith.constant 0 : index
    %get3A_4 = arith.constant 0 : index
    %get3A_5 = arith.constant 0 : index
    %get3A_6 = vector.load %arg1[%get3A_3, %get3A_4, %get3A_5] : memref<8x625x128xf32, #tpu.memory_space<vmem>>, vector<8x625x128xf32>
    %logistic3A = arith.negf %get3A_6 : vector<8x625x128xf32>
    %logistic3A_7 = math.exp %logistic3A : vector<8x625x128xf32>
    %logistic3A_8 = arith.constant 1.000000e+00 : f32
    %logistic3A_9 = vector.broadcast %logistic3A_8 : f32 to vector<8x625x128xf32>
    %logistic3A_10 = arith.addf %logistic3A_9, %logistic3A_7 : vector<8x625x128xf32>
    %logistic3A_11 = arith.divf %logistic3A_9, %logistic3A_10 : vector<8x625x128xf32>
    %broadcast_in_dim3A = arith.constant -1 : i32
    %broadcast_in_dim3A_12 = vector.broadcast %broadcast_in_dim3A : i32 to vector<8x1x1xi32>
    %broadcast_in_dim3A_13 = arith.constant 1073741824 : i32
    %broadcast_in_dim3A_14 = vector.broadcast %broadcast_in_dim3A_13 : i32 to vector<8x1x1xi32>
    %scan3A = arith.constant 0 : i32
    %scan3A_15 = arith.constant 31 : i32
    %scan3A_16 = arith.addi %scan3A, %scan3A_15 : i32
    %scan3A_17 = arith.constant 1 : i32
    %scan3A_18:2 = scf.for %scan3A_789 = %scan3A to %scan3A_16 step %scan3A_17 iter_args(%scan3A_790 = %broadcast_in_dim3A_12, %scan3A_791 = %broadcast_in_dim3A_14) -> (vector<8x1x1xi32>, vector<8x1x1xi32>)  : i32 {
      %sub3A_792 = arith.subi %scan3A_791, %scan3A_790 : vector<8x1x1xi32>
      %gt3A_793 = arith.constant 1 : i32
      %gt3A_794 = vector.broadcast %gt3A_793 : i32 to vector<8x1x1xi32>
      %gt3A_795 = arith.cmpi sgt, %sub3A_792, %gt3A_794 : vector<8x1x1xi32>
      %add3A_796 = arith.addi %scan3A_790, %scan3A_791 : vector<8x1x1xi32>
      %jit3A = arith.constant 2 : i32
      %div3A_797 = vector.broadcast %jit3A : i32 to vector<8x1x1xi32>
      %div3A_798 = arith.divsi %add3A_796, %div3A_797 : vector<8x1x1xi32>
      %sign3A = arith.constant 0 : i32
      %sign3A_799 = vector.broadcast %sign3A : i32 to vector<8x1x1xi32>
      %sign3A_800 = arith.cmpi sgt, %add3A_796, %sign3A_799 : vector<8x1x1xi32>
      %sign3A_801 = arith.extui %sign3A_800 : vector<8x1x1xi1> to vector<8x1x1xi32>
      %sign3A_802 = arith.constant 0 : i32
      %sign3A_803 = vector.broadcast %sign3A_802 : i32 to vector<8x1x1xi32>
      %sign3A_804 = arith.cmpi slt, %add3A_796, %sign3A_803 : vector<8x1x1xi32>
      %sign3A_805 = arith.extui %sign3A_804 : vector<8x1x1xi1> to vector<8x1x1xi32>
      %sign3A_806 = arith.subi %sign3A_801, %sign3A_805 : vector<8x1x1xi32>
      %sign3A_807 = arith.constant 0 : i32
      %sign3A_808 = arith.cmpi sgt, %jit3A, %sign3A_807 : i32
      %sign3A_809 = arith.extui %sign3A_808 : i1 to i32
      %sign3A_810 = arith.constant 0 : i32
      %sign3A_811 = arith.cmpi slt, %jit3A, %sign3A_810 : i32
      %sign3A_812 = arith.extui %sign3A_811 : i1 to i32
      %sign3A_813 = arith.subi %sign3A_809, %sign3A_812 : i32
      %ne3A = vector.broadcast %sign3A_813 : i32 to vector<8x1x1xi32>
      %ne3A_814 = arith.cmpi ne, %sign3A_806, %ne3A : vector<8x1x1xi32>
      %rem3A = vector.broadcast %jit3A : i32 to vector<8x1x1xi32>
      %rem3A_815 = arith.remsi %add3A_796, %rem3A : vector<8x1x1xi32>
      %ne3A_816 = arith.constant 0 : i32
      %ne3A_817 = vector.broadcast %ne3A_816 : i32 to vector<8x1x1xi32>
      %ne3A_818 = arith.cmpi ne, %rem3A_815, %ne3A_817 : vector<8x1x1xi32>
      %and3A_819 = arith.andi %ne3A_814, %ne3A_818 : vector<8x1x1xi1>
      %sub3A_820 = arith.constant 1 : i32
      %sub3A_821 = vector.broadcast %sub3A_820 : i32 to vector<8x1x1xi32>
      %sub3A_822 = arith.subi %div3A_798, %sub3A_821 : vector<8x1x1xi32>
      %select_n3A = arith.select %and3A_819, %sub3A_822, %div3A_798 : vector<8x1x1xi1>, vector<8x1x1xi32>
      %bitcast_convert_type3A_823 = tpu.bitcast %select_n3A : vector<8x1x1xi32> -> vector<8x1x1xf32>
      %gt3A_824 = vector.broadcast %bitcast_convert_type3A_823 : vector<8x1x1xf32> to vector<8x625x128xf32>
      %gt3A_825 = arith.cmpf ogt, %logistic3A_11, %gt3A_824 : vector<8x625x128xf32>
      %convert_element_type3A_826 = arith.extui %gt3A_825 : vector<8x625x128xi1> to vector<8x625x128xi32>
      %reduce_sum3A_827 = arith.constant dense<0> : vector<8x128xi32>
      %reduce_sum3A_828 = vector.multi_reduction <add>, %convert_element_type3A_826, %reduce_sum3A_827 [1] : vector<8x625x128xi32> to vector<8x128xi32>
      %broadcast_in_dim3A_829 = vector.shape_cast %reduce_sum3A_828 : vector<8x128xi32> to vector<8x1x128xi32>
      %reduce_sum3A_830 = arith.constant dense<0> : vector<8x1xi32>
      %reduce_sum3A_831 = vector.multi_reduction <add>, %broadcast_in_dim3A_829, %reduce_sum3A_830 [2] : vector<8x1x128xi32> to vector<8x1xi32>
      %broadcast_in_dim3A_832 = vector.shape_cast %reduce_sum3A_831 : vector<8x1xi32> to vector<8x1x1xi32>
      %ge3A = arith.constant 300 : i32
      %ge3A_833 = vector.broadcast %ge3A : i32 to vector<8x1x1xi32>
      %ge3A_834 = arith.cmpi sge, %broadcast_in_dim3A_832, %ge3A_833 : vector<8x1x1xi32>
      %and3A_835 = arith.andi %gt3A_795, %ge3A_834 : vector<8x1x1xi1>
      %select_n3A_836 = arith.select %and3A_835, %select_n3A, %scan3A_790 : vector<8x1x1xi1>, vector<8x1x1xi32>
      %not3A = arith.constant dense<true> : vector<8x1x1xi1>
      %not3A_837 = arith.xori %ge3A_834, %not3A : vector<8x1x1xi1>
      %and3A_838 = arith.andi %gt3A_795, %not3A_837 : vector<8x1x1xi1>
      %select_n3A_839 = arith.select %and3A_838, %select_n3A, %scan3A_791 : vector<8x1x1xi1>, vector<8x1x1xi32>
      scf.yield %select_n3A_836, %select_n3A_839 : vector<8x1x1xi32>, vector<8x1x1xi32>
    }
    %bitcast_convert_type3A = tpu.bitcast %scan3A_18#1 : vector<8x1x1xi32> -> vector<8x1x1xf32>
    %bitcast_convert_type3A_19 = tpu.bitcast %scan3A_18#1 : vector<8x1x1xi32> -> vector<8x1x1xf32>
    %gt3A = vector.broadcast %bitcast_convert_type3A_19 : vector<8x1x1xf32> to vector<8x625x128xf32>
    %gt3A_20 = arith.cmpf ogt, %logistic3A_11, %gt3A : vector<8x625x128xf32>
    %convert_element_type3A = arith.extui %gt3A_20 : vector<8x625x128xi1> to vector<8x625x128xi32>
    %reduce_sum3A = arith.constant dense<0> : vector<8x128xi32>
    %reduce_sum3A_21 = vector.multi_reduction <add>, %convert_element_type3A, %reduce_sum3A [1] : vector<8x625x128xi32> to vector<8x128xi32>
    %broadcast_in_dim3A_22 = vector.shape_cast %reduce_sum3A_21 : vector<8x128xi32> to vector<8x1x128xi32>
    %reduce_sum3A_23 = arith.constant dense<0> : vector<8x1xi32>
    %reduce_sum3A_24 = vector.multi_reduction <add>, %broadcast_in_dim3A_22, %reduce_sum3A_23 [2] : vector<8x1x128xi32> to vector<8x1xi32>
    %broadcast_in_dim3A_25 = vector.shape_cast %reduce_sum3A_24 : vector<8x1xi32> to vector<8x1x1xi32>
    %sub3A = arith.constant 300 : i32
    %sub3A_26 = vector.broadcast %sub3A : i32 to vector<8x1x1xi32>
    %sub3A_27 = arith.subi %sub3A_26, %broadcast_in_dim3A_25 : vector<8x1x1xi32>
    %convert_element_type3A_28 = arith.sitofp %sub3A_27 : vector<8x1x1xi32> to vector<8x1x1xf32>
    %iota3A = tpu.iota {dimensions = array<i32: 0>} : vector<625x625xi32>
    %iota3A_29 = tpu.iota {dimensions = array<i32: 1>} : vector<625x625xi32>
    %le3A = arith.cmpi sle, %iota3A_29, %iota3A : vector<625x625xi32>
    %convert_element_type3A_30 = arith.extui %le3A : vector<625x625xi1> to vector<625x625xi32>
    %convert_element_type3A_31 = arith.sitofp %convert_element_type3A_30 : vector<625x625xi32> to vector<625x625xf32>
    %lt3A = arith.cmpi slt, %iota3A_29, %iota3A : vector<625x625xi32>
    %convert_element_type3A_32 = arith.extui %lt3A : vector<625x625xi1> to vector<625x625xi32>
    %convert_element_type3A_33 = arith.sitofp %convert_element_type3A_32 : vector<625x625xi32> to vector<625x625xf32>
    %iota3A_34 = tpu.iota {dimensions = array<i32: 0>} : vector<128x128xi32>
    %iota3A_35 = tpu.iota {dimensions = array<i32: 1>} : vector<128x128xi32>
    %gt3A_36 = arith.cmpi sgt, %iota3A_34, %iota3A_35 : vector<128x128xi32>
    %convert_element_type3A_37 = arith.extui %gt3A_36 : vector<128x128xi1> to vector<128x128xi32>
    %convert_element_type3A_38 = arith.sitofp %convert_element_type3A_37 : vector<128x128xi32> to vector<128x128xf32>
    %lt3A_39 = arith.cmpi slt, %iota3A_34, %iota3A_35 : vector<128x128xi32>
    %convert_element_type3A_40 = arith.extui %lt3A_39 : vector<128x128xi1> to vector<128x128xi32>
    %convert_element_type3A_41 = arith.sitofp %convert_element_type3A_40 : vector<128x128xi32> to vector<128x128xf32>
    %broadcast_in_dim3A_42 = arith.constant 1.000000e+00 : f32
    %broadcast_in_dim3A_43 = vector.broadcast %broadcast_in_dim3A_42 : f32 to vector<1x625xf32>
    %broadcast_in_dim3A_44 = arith.constant 1.000000e+00 : f32
    %broadcast_in_dim3A_45 = vector.broadcast %broadcast_in_dim3A_44 : f32 to vector<128x1xf32>
    %iota3A_46 = tpu.iota {dimensions = array<i32: 0>} : vector<304x128xi32>
    %convert_element_type3A_47 = arith.sitofp %iota3A_46 : vector<304x128xi32> to vector<304x128xf32>
    %iota3A_48 = tpu.iota {dimensions = array<i32: 1>} : vector<1x128xi32>
    %convert_element_type3A_49 = arith.sitofp %iota3A_48 : vector<1x128xi32> to vector<1x128xf32>
    %iota3A_50 = tpu.iota {dimensions = array<i32: 1>} : vector<304x625xi32>
    %convert_element_type3A_51 = arith.sitofp %iota3A_50 : vector<304x625xi32> to vector<304x625xf32>
    %slice3A = vector.extract_strided_slice %logistic3A_11 {offsets = [0, 0, 0], sizes = [1, 625, 128], strides = [1, 1, 1]} : vector<8x625x128xf32> to vector<1x625x128xf32>
    %squeeze3A = vector.shape_cast %slice3A : vector<1x625x128xf32> to vector<625x128xf32>
    %slice3A_52 = vector.extract_strided_slice %bitcast_convert_type3A {offsets = [0, 0, 0], sizes = [1, 1, 1], strides = [1, 1, 1]} : vector<8x1x1xf32> to vector<1x1x1xf32>
    %squeeze3A_53 = vector.shape_cast %slice3A_52 : vector<1x1x1xf32> to vector<1x1xf32>
    %slice3A_54 = vector.extract_strided_slice %convert_element_type3A_28 {offsets = [0, 0, 0], sizes = [1, 1, 1], strides = [1, 1, 1]} : vector<8x1x1xf32> to vector<1x1x1xf32>
    %squeeze3A_55 = vector.shape_cast %slice3A_54 : vector<1x1x1xf32> to vector<1x1xf32>
    %gt3A_56 = vector.broadcast %squeeze3A_53 : vector<1x1xf32> to vector<625x128xf32>
    %gt3A_57 = arith.cmpf ogt, %squeeze3A, %gt3A_56 : vector<625x128xf32>
    %convert_element_type3A_58 = arith.extui %gt3A_57 : vector<625x128xi1> to vector<625x128xi32>
    %convert_element_type3A_59 = arith.sitofp %convert_element_type3A_58 : vector<625x128xi32> to vector<625x128xf32>
    %eq3A = vector.broadcast %squeeze3A_53 : vector<1x1xf32> to vector<625x128xf32>
    %eq3A_60 = arith.cmpf oeq, %squeeze3A, %eq3A : vector<625x128xf32>
    %convert_element_type3A_61 = arith.extui %eq3A_60 : vector<625x128xi1> to vector<625x128xi32>
    %convert_element_type3A_62 = arith.sitofp %convert_element_type3A_61 : vector<625x128xi32> to vector<625x128xf32>
    %dot_general3A = arith.constant dense<0.000000e+00> : vector<625x1xf32>
    %dot_general3A_63 = tpu.matmul %convert_element_type3A_62, %broadcast_in_dim3A_45, %dot_general3A {dimension_numbers = #tpu.dot_dimension_numbers<[1], [0], [0], [1], [0, 0, 1, 1], [], []>, transpose_lhs_hint = false} : vector<625x128xf32>, vector<128x1xf32>, vector<625x1xf32> -> vector<625x1xf32>
    %dot_general3A_64 = arith.constant dense<0.000000e+00> : vector<625x1xf32>
    %dot_general3A_65 = tpu.matmul %convert_element_type3A_33, %dot_general3A_63, %dot_general3A_64 {dimension_numbers = #tpu.dot_dimension_numbers<[1], [0], [0], [1], [0, 0, 1, 1], [], []>, transpose_lhs_hint = false} : vector<625x625xf32>, vector<625x1xf32>, vector<625x1xf32> -> vector<625x1xf32>
    %dot_general3A_66 = arith.constant dense<0.000000e+00> : vector<625x128xf32>
    %dot_general3A_67 = tpu.matmul %convert_element_type3A_62, %convert_element_type3A_41, %dot_general3A_66 {dimension_numbers = #tpu.dot_dimension_numbers<[1], [0], [0], [1], [0, 0, 1, 1], [], []>, transpose_lhs_hint = false} : vector<625x128xf32>, vector<128x128xf32>, vector<625x128xf32> -> vector<625x128xf32>
    %add3A = vector.broadcast %dot_general3A_65 : vector<625x1xf32> to vector<625x128xf32>
    %add3A_68 = arith.addf %add3A, %dot_general3A_67 : vector<625x128xf32>
    %lt3A_69 = vector.broadcast %squeeze3A_55 : vector<1x1xf32> to vector<625x128xf32>
    %lt3A_70 = arith.cmpf olt, %add3A_68, %lt3A_69 : vector<625x128xf32>
    %convert_element_type3A_71 = arith.extui %lt3A_70 : vector<625x128xi1> to vector<625x128xi32>
    %convert_element_type3A_72 = arith.sitofp %convert_element_type3A_71 : vector<625x128xi32> to vector<625x128xf32>
    %mul3A = arith.mulf %convert_element_type3A_62, %convert_element_type3A_72 : vector<625x128xf32>
    %add3A_73 = arith.addf %convert_element_type3A_59, %mul3A : vector<625x128xf32>
    %dot_general3A_74 = arith.constant dense<0.000000e+00> : vector<1x128xf32>
    %dot_general3A_75 = tpu.matmul %broadcast_in_dim3A_43, %add3A_73, %dot_general3A_74 {dimension_numbers = #tpu.dot_dimension_numbers<[1], [0], [0], [1], [0, 0, 1, 1], [], []>, transpose_lhs_hint = false} : vector<1x625xf32>, vector<625x128xf32>, vector<1x128xf32> -> vector<1x128xf32>
    %dot_general3A_76 = arith.constant dense<0.000000e+00> : vector<1x128xf32>
    %dot_general3A_77 = tpu.matmul %dot_general3A_75, %convert_element_type3A_38, %dot_general3A_76 {dimension_numbers = #tpu.dot_dimension_numbers<[1], [0], [0], [1], [0, 0, 1, 1], [], []>, precision = #tpu.contract_precision<fp32>, transpose_lhs_hint = false} : vector<1x128xf32>, vector<128x128xf32>, vector<1x128xf32> -> vector<1x128xf32>
    %dot_general3A_78 = arith.constant dense<0.000000e+00> : vector<625x128xf32>
    %dot_general3A_79 = tpu.matmul %convert_element_type3A_31, %add3A_73, %dot_general3A_78 {dimension_numbers = #tpu.dot_dimension_numbers<[1], [0], [0], [1], [0, 0, 1, 1], [], []>, transpose_lhs_hint = false} : vector<625x625xf32>, vector<625x128xf32>, vector<625x128xf32> -> vector<625x128xf32>
    %sub3A_80 = arith.subf %dot_general3A_79, %add3A_73 : vector<625x128xf32>
    %le3A_81 = vector.broadcast %dot_general3A_77 : vector<1x128xf32> to vector<304x128xf32>
    %le3A_82 = arith.cmpf ole, %le3A_81, %convert_element_type3A_47 : vector<304x128xf32>
    %add3A_83 = arith.addf %dot_general3A_77, %dot_general3A_75 : vector<1x128xf32>
    %lt3A_84 = vector.broadcast %add3A_83 : vector<1x128xf32> to vector<304x128xf32>
    %lt3A_85 = arith.cmpf olt, %convert_element_type3A_47, %lt3A_84 : vector<304x128xf32>
    %and3A = arith.andi %le3A_82, %lt3A_85 : vector<304x128xi1>
    %convert_element_type3A_86 = arith.extui %and3A : vector<304x128xi1> to vector<304x128xi32>
    %convert_element_type3A_87 = arith.sitofp %convert_element_type3A_86 : vector<304x128xi32> to vector<304x128xf32>
    %dot_general3A_88 = arith.constant dense<0.000000e+00> : vector<304x1xf32>
    %dot_general3A_89 = tpu.matmul %convert_element_type3A_87, %convert_element_type3A_49, %dot_general3A_88 {dimension_numbers = #tpu.dot_dimension_numbers<[1], [1], [0], [0], [0, 0, 1, 0], [], []>, transpose_lhs_hint = false} : vector<304x128xf32>, vector<1x128xf32>, vector<304x1xf32> -> vector<304x1xf32>
    %mul3A_90 = arith.mulf %convert_element_type3A_87, %convert_element_type3A_47 : vector<304x128xf32>
    %reduce_sum3A_91 = arith.constant dense<0.000000e+00> : vector<304xf32>
    %reduce_sum3A_92 = vector.multi_reduction <add>, %mul3A_90, %reduce_sum3A_91 [1] : vector<304x128xf32> to vector<304xf32>
    %broadcast_in_dim3A_93 = vector.shape_cast %reduce_sum3A_92 : vector<304xf32> to vector<304x1xf32>
    %dot_general3A_94 = arith.constant dense<0.000000e+00> : vector<304x1xf32>
    %dot_general3A_95 = tpu.matmul %convert_element_type3A_87, %dot_general3A_77, %dot_general3A_94 {dimension_numbers = #tpu.dot_dimension_numbers<[1], [1], [0], [0], [0, 0, 1, 0], [], []>, precision = #tpu.contract_precision<fp32>, transpose_lhs_hint = false} : vector<304x128xf32>, vector<1x128xf32>, vector<304x1xf32> -> vector<304x1xf32>
    %sub3A_96 = arith.subf %broadcast_in_dim3A_93, %dot_general3A_95 : vector<304x1xf32>
    %dot_general3A_97 = arith.constant dense<0.000000e+00> : vector<304x625xf32>
    %dot_general3A_98 = tpu.matmul %convert_element_type3A_87, %squeeze3A, %dot_general3A_97 {dimension_numbers = #tpu.dot_dimension_numbers<[1], [1], [0], [0], [0, 0, 1, 0], [], []>, precision = #tpu.contract_precision<fp32>, transpose_lhs_hint = false} : vector<304x128xf32>, vector<625x128xf32>, vector<304x625xf32> -> vector<304x625xf32>
    %dot_general3A_99 = arith.constant dense<0.000000e+00> : vector<304x625xf32>
    %dot_general3A_100 = tpu.matmul %convert_element_type3A_87, %sub3A_80, %dot_general3A_99 {dimension_numbers = #tpu.dot_dimension_numbers<[1], [1], [0], [0], [0, 0, 1, 0], [], []>, precision = #tpu.contract_precision<fp32>, transpose_lhs_hint = false} : vector<304x128xf32>, vector<625x128xf32>, vector<304x625xf32> -> vector<304x625xf32>
    %dot_general3A_101 = arith.constant dense<0.000000e+00> : vector<304x625xf32>
    %dot_general3A_102 = tpu.matmul %convert_element_type3A_87, %add3A_73, %dot_general3A_101 {dimension_numbers = #tpu.dot_dimension_numbers<[1], [1], [0], [0], [0, 0, 1, 0], [], []>, transpose_lhs_hint = false} : vector<304x128xf32>, vector<625x128xf32>, vector<304x625xf32> -> vector<304x625xf32>
    %eq3A_103 = vector.broadcast %sub3A_96 : vector<304x1xf32> to vector<304x625xf32>
    %eq3A_104 = arith.cmpf oeq, %dot_general3A_100, %eq3A_103 : vector<304x625xf32>
    %convert_element_type3A_105 = arith.extui %eq3A_104 : vector<304x625xi1> to vector<304x625xi32>
    %convert_element_type3A_106 = arith.sitofp %convert_element_type3A_105 : vector<304x625xi32> to vector<304x625xf32>
    %mul3A_107 = arith.mulf %dot_general3A_102, %convert_element_type3A_106 : vector<304x625xf32>
    %mul3A_108 = arith.mulf %mul3A_107, %dot_general3A_98 : vector<304x625xf32>
    %reduce_sum3A_109 = arith.constant dense<0.000000e+00> : vector<304xf32>
    %reduce_sum3A_110 = vector.multi_reduction <add>, %mul3A_108, %reduce_sum3A_109 [1] : vector<304x625xf32> to vector<304xf32>
    %broadcast_in_dim3A_111 = vector.shape_cast %reduce_sum3A_110 : vector<304xf32> to vector<304x1xf32>
    %mul3A_112 = arith.mulf %mul3A_107, %convert_element_type3A_51 : vector<304x625xf32>
    %reduce_sum3A_113 = arith.constant dense<0.000000e+00> : vector<304xf32>
    %reduce_sum3A_114 = vector.multi_reduction <add>, %mul3A_112, %reduce_sum3A_113 [1] : vector<304x625xf32> to vector<304xf32>
    %broadcast_in_dim3A_115 = vector.shape_cast %reduce_sum3A_114 : vector<304xf32> to vector<304x1xf32>
    %mul3A_116 = arith.constant 1.280000e+02 : f32
    %mul3A_117 = vector.broadcast %mul3A_116 : f32 to vector<304x1xf32>
    %mul3A_118 = arith.mulf %broadcast_in_dim3A_115, %mul3A_117 : vector<304x1xf32>
    %add3A_119 = arith.addf %mul3A_118, %dot_general3A_89 : vector<304x1xf32>
    %swap3A = arith.constant 0 : index
    %swap3A_120 = arith.constant 0 : index
    %swap3A_121 = arith.constant 0 : index
    %swap3A_122 = vector.load %arg4[%swap3A, %swap3A_120, %swap3A_121] : memref<8x304x1xf32, #tpu.memory_space<vmem>>, vector<1x304x1xf32>
    %swap3A_123 = vector.shape_cast %swap3A_122 : vector<1x304x1xf32> to vector<304x1xf32>
    %swap3A_124 = vector.shape_cast %broadcast_in_dim3A_111 : vector<304x1xf32> to vector<1x304x1xf32>
    tpu.vector_store %arg4[%swap3A, %swap3A_120, %swap3A_121], %swap3A_124 {strides = array<i32>} : memref<8x304x1xf32, #tpu.memory_space<vmem>>, vector<1x304x1xf32>,
    %swap3A_125 = arith.constant 0 : index
    %swap3A_126 = arith.constant 0 : index
    %swap3A_127 = arith.constant 0 : index
    %swap3A_128 = vector.load %arg5[%swap3A_125, %swap3A_126, %swap3A_127] : memref<8x304x1xf32, #tpu.memory_space<vmem>>, vector<1x304x1xf32>
    %swap3A_129 = vector.shape_cast %swap3A_128 : vector<1x304x1xf32> to vector<304x1xf32>
    %swap3A_130 = vector.shape_cast %add3A_119 : vector<304x1xf32> to vector<1x304x1xf32>
    tpu.vector_store %arg5[%swap3A_125, %swap3A_126, %swap3A_127], %swap3A_130 {strides = array<i32>} : memref<8x304x1xf32, #tpu.memory_space<vmem>>, vector<1x304x1xf32>,
    %slice3A_131 = vector.extract_strided_slice %logistic3A_11 {offsets = [1, 0, 0], sizes = [1, 625, 128], strides = [1, 1, 1]} : vector<8x625x128xf32> to vector<1x625x128xf32>
    %squeeze3A_132 = vector.shape_cast %slice3A_131 : vector<1x625x128xf32> to vector<625x128xf32>
    %slice3A_133 = vector.extract_strided_slice %bitcast_convert_type3A {offsets = [1, 0, 0], sizes = [1, 1, 1], strides = [1, 1, 1]} : vector<8x1x1xf32> to vector<1x1x1xf32>
    %squeeze3A_134 = vector.shape_cast %slice3A_133 : vector<1x1x1xf32> to vector<1x1xf32>
    %slice3A_135 = vector.extract_strided_slice %convert_element_type3A_28 {offsets = [1, 0, 0], sizes = [1, 1, 1], strides = [1, 1, 1]} : vector<8x1x1xf32> to vector<1x1x1xf32>
    %squeeze3A_136 = vector.shape_cast %slice3A_135 : vector<1x1x1xf32> to vector<1x1xf32>
    %gt3A_137 = vector.broadcast %squeeze3A_134 : vector<1x1xf32> to vector<625x128xf32>
    %gt3A_138 = arith.cmpf ogt, %squeeze3A_132, %gt3A_137 : vector<625x128xf32>
    %convert_element_type3A_139 = arith.extui %gt3A_138 : vector<625x128xi1> to vector<625x128xi32>
    %convert_element_type3A_140 = arith.sitofp %convert_element_type3A_139 : vector<625x128xi32> to vector<625x128xf32>
    %eq3A_141 = vector.broadcast %squeeze3A_134 : vector<1x1xf32> to vector<625x128xf32>
    %eq3A_142 = arith.cmpf oeq, %squeeze3A_132, %eq3A_141 : vector<625x128xf32>
    %convert_element_type3A_143 = arith.extui %eq3A_142 : vector<625x128xi1> to vector<625x128xi32>
    %convert_element_type3A_144 = arith.sitofp %convert_element_type3A_143 : vector<625x128xi32> to vector<625x128xf32>
    %dot_general3A_145 = arith.constant dense<0.000000e+00> : vector<625x1xf32>
    %dot_general3A_146 = tpu.matmul %convert_element_type3A_144, %broadcast_in_dim3A_45, %dot_general3A_145 {dimension_numbers = #tpu.dot_dimension_numbers<[1], [0], [0], [1], [0, 0, 1, 1], [], []>, transpose_lhs_hint = false} : vector<625x128xf32>, vector<128x1xf32>, vector<625x1xf32> -> vector<625x1xf32>
    %dot_general3A_147 = arith.constant dense<0.000000e+00> : vector<625x1xf32>
    %dot_general3A_148 = tpu.matmul %convert_element_type3A_33, %dot_general3A_146, %dot_general3A_147 {dimension_numbers = #tpu.dot_dimension_numbers<[1], [0], [0], [1], [0, 0, 1, 1], [], []>, transpose_lhs_hint = false} : vector<625x625xf32>, vector<625x1xf32>, vector<625x1xf32> -> vector<625x1xf32>
    %dot_general3A_149 = arith.constant dense<0.000000e+00> : vector<625x128xf32>
    %dot_general3A_150 = tpu.matmul %convert_element_type3A_144, %convert_element_type3A_41, %dot_general3A_149 {dimension_numbers = #tpu.dot_dimension_numbers<[1], [0], [0], [1], [0, 0, 1, 1], [], []>, transpose_lhs_hint = false} : vector<625x128xf32>, vector<128x128xf32>, vector<625x128xf32> -> vector<625x128xf32>
    %add3A_151 = vector.broadcast %dot_general3A_148 : vector<625x1xf32> to vector<625x128xf32>
    %add3A_152 = arith.addf %add3A_151, %dot_general3A_150 : vector<625x128xf32>
    %lt3A_153 = vector.broadcast %squeeze3A_136 : vector<1x1xf32> to vector<625x128xf32>
    %lt3A_154 = arith.cmpf olt, %add3A_152, %lt3A_153 : vector<625x128xf32>
    %convert_element_type3A_155 = arith.extui %lt3A_154 : vector<625x128xi1> to vector<625x128xi32>
    %convert_element_type3A_156 = arith.sitofp %convert_element_type3A_155 : vector<625x128xi32> to vector<625x128xf32>
    %mul3A_157 = arith.mulf %convert_element_type3A_144, %convert_element_type3A_156 : vector<625x128xf32>
    %add3A_158 = arith.addf %convert_element_type3A_140, %mul3A_157 : vector<625x128xf32>
    %dot_general3A_159 = arith.constant dense<0.000000e+00> : vector<1x128xf32>
    %dot_general3A_160 = tpu.matmul %broadcast_in_dim3A_43, %add3A_158, %dot_general3A_159 {dimension_numbers = #tpu.dot_dimension_numbers<[1], [0], [0], [1], [0, 0, 1, 1], [], []>, transpose_lhs_hint = false} : vector<1x625xf32>, vector<625x128xf32>, vector<1x128xf32> -> vector<1x128xf32>
    %dot_general3A_161 = arith.constant dense<0.000000e+00> : vector<1x128xf32>
    %dot_general3A_162 = tpu.matmul %dot_general3A_160, %convert_element_type3A_38, %dot_general3A_161 {dimension_numbers = #tpu.dot_dimension_numbers<[1], [0], [0], [1], [0, 0, 1, 1], [], []>, precision = #tpu.contract_precision<fp32>, transpose_lhs_hint = false} : vector<1x128xf32>, vector<128x128xf32>, vector<1x128xf32> -> vector<1x128xf32>
    %dot_general3A_163 = arith.constant dense<0.000000e+00> : vector<625x128xf32>
    %dot_general3A_164 = tpu.matmul %convert_element_type3A_31, %add3A_158, %dot_general3A_163 {dimension_numbers = #tpu.dot_dimension_numbers<[1], [0], [0], [1], [0, 0, 1, 1], [], []>, transpose_lhs_hint = false} : vector<625x625xf32>, vector<625x128xf32>, vector<625x128xf32> -> vector<625x128xf32>
    %sub3A_165 = arith.subf %dot_general3A_164, %add3A_158 : vector<625x128xf32>
    %le3A_166 = vector.broadcast %dot_general3A_162 : vector<1x128xf32> to vector<304x128xf32>
    %le3A_167 = arith.cmpf ole, %le3A_166, %convert_element_type3A_47 : vector<304x128xf32>
    %add3A_168 = arith.addf %dot_general3A_162, %dot_general3A_160 : vector<1x128xf32>
    %lt3A_169 = vector.broadcast %add3A_168 : vector<1x128xf32> to vector<304x128xf32>
    %lt3A_170 = arith.cmpf olt, %convert_element_type3A_47, %lt3A_169 : vector<304x128xf32>
    %and3A_171 = arith.andi %le3A_167, %lt3A_170 : vector<304x128xi1>
    %convert_element_type3A_172 = arith.extui %and3A_171 : vector<304x128xi1> to vector<304x128xi32>
    %convert_element_type3A_173 = arith.sitofp %convert_element_type3A_172 : vector<304x128xi32> to vector<304x128xf32>
    %dot_general3A_174 = arith.constant dense<0.000000e+00> : vector<304x1xf32>
    %dot_general3A_175 = tpu.matmul %convert_element_type3A_173, %convert_element_type3A_49, %dot_general3A_174 {dimension_numbers = #tpu.dot_dimension_numbers<[1], [1], [0], [0], [0, 0, 1, 0], [], []>, transpose_lhs_hint = false} : vector<304x128xf32>, vector<1x128xf32>, vector<304x1xf32> -> vector<304x1xf32>
    %mul3A_176 = arith.mulf %convert_element_type3A_173, %convert_element_type3A_47 : vector<304x128xf32>
    %reduce_sum3A_177 = arith.constant dense<0.000000e+00> : vector<304xf32>
    %reduce_sum3A_178 = vector.multi_reduction <add>, %mul3A_176, %reduce_sum3A_177 [1] : vector<304x128xf32> to vector<304xf32>
    %broadcast_in_dim3A_179 = vector.shape_cast %reduce_sum3A_178 : vector<304xf32> to vector<304x1xf32>
    %dot_general3A_180 = arith.constant dense<0.000000e+00> : vector<304x1xf32>
    %dot_general3A_181 = tpu.matmul %convert_element_type3A_173, %dot_general3A_162, %dot_general3A_180 {dimension_numbers = #tpu.dot_dimension_numbers<[1], [1], [0], [0], [0, 0, 1, 0], [], []>, precision = #tpu.contract_precision<fp32>, transpose_lhs_hint = false} : vector<304x128xf32>, vector<1x128xf32>, vector<304x1xf32> -> vector<304x1xf32>
    %sub3A_182 = arith.subf %broadcast_in_dim3A_179, %dot_general3A_181 : vector<304x1xf32>
    %dot_general3A_183 = arith.constant dense<0.000000e+00> : vector<304x625xf32>
    %dot_general3A_184 = tpu.matmul %convert_element_type3A_173, %squeeze3A_132, %dot_general3A_183 {dimension_numbers = #tpu.dot_dimension_numbers<[1], [1], [0], [0], [0, 0, 1, 0], [], []>, precision = #tpu.contract_precision<fp32>, transpose_lhs_hint = false} : vector<304x128xf32>, vector<625x128xf32>, vector<304x625xf32> -> vector<304x625xf32>
    %dot_general3A_185 = arith.constant dense<0.000000e+00> : vector<304x625xf32>
    %dot_general3A_186 = tpu.matmul %convert_element_type3A_173, %sub3A_165, %dot_general3A_185 {dimension_numbers = #tpu.dot_dimension_numbers<[1], [1], [0], [0], [0, 0, 1, 0], [], []>, precision = #tpu.contract_precision<fp32>, transpose_lhs_hint = false} : vector<304x128xf32>, vector<625x128xf32>, vector<304x625xf32> -> vector<304x625xf32>
    %dot_general3A_187 = arith.constant dense<0.000000e+00> : vector<304x625xf32>
    %dot_general3A_188 = tpu.matmul %convert_element_type3A_173, %add3A_158, %dot_general3A_187 {dimension_numbers = #tpu.dot_dimension_numbers<[1], [1], [0], [0], [0, 0, 1, 0], [], []>, transpose_lhs_hint = false} : vector<304x128xf32>, vector<625x128xf32>, vector<304x625xf32> -> vector<304x625xf32>
    %eq3A_189 = vector.broadcast %sub3A_182 : vector<304x1xf32> to vector<304x625xf32>
    %eq3A_190 = arith.cmpf oeq, %dot_general3A_186, %eq3A_189 : vector<304x625xf32>
    %convert_element_type3A_191 = arith.extui %eq3A_190 : vector<304x625xi1> to vector<304x625xi32>
    %convert_element_type3A_192 = arith.sitofp %convert_element_type3A_191 : vector<304x625xi32> to vector<304x625xf32>
    %mul3A_193 = arith.mulf %dot_general3A_188, %convert_element_type3A_192 : vector<304x625xf32>
    %mul3A_194 = arith.mulf %mul3A_193, %dot_general3A_184 : vector<304x625xf32>
    %reduce_sum3A_195 = arith.constant dense<0.000000e+00> : vector<304xf32>
    %reduce_sum3A_196 = vector.multi_reduction <add>, %mul3A_194, %reduce_sum3A_195 [1] : vector<304x625xf32> to vector<304xf32>
    %broadcast_in_dim3A_197 = vector.shape_cast %reduce_sum3A_196 : vector<304xf32> to vector<304x1xf32>
    %mul3A_198 = arith.mulf %mul3A_193, %convert_element_type3A_51 : vector<304x625xf32>
    %reduce_sum3A_199 = arith.constant dense<0.000000e+00> : vector<304xf32>
    %reduce_sum3A_200 = vector.multi_reduction <add>, %mul3A_198, %reduce_sum3A_199 [1] : vector<304x625xf32> to vector<304xf32>
    %broadcast_in_dim3A_201 = vector.shape_cast %reduce_sum3A_200 : vector<304xf32> to vector<304x1xf32>
    %mul3A_202 = arith.constant 1.280000e+02 : f32
    %mul3A_203 = vector.broadcast %mul3A_202 : f32 to vector<304x1xf32>
    %mul3A_204 = arith.mulf %broadcast_in_dim3A_201, %mul3A_203 : vector<304x1xf32>
    %add3A_205 = arith.addf %mul3A_204, %dot_general3A_175 : vector<304x1xf32>
    %swap3A_206 = arith.constant 1 : index
    %swap3A_207 = arith.constant 0 : index
    %swap3A_208 = arith.constant 0 : index
    %swap3A_209 = vector.load %arg4[%swap3A_206, %swap3A_207, %swap3A_208] : memref<8x304x1xf32, #tpu.memory_space<vmem>>, vector<1x304x1xf32>
    %swap3A_210 = vector.shape_cast %swap3A_209 : vector<1x304x1xf32> to vector<304x1xf32>
    %swap3A_211 = vector.shape_cast %broadcast_in_dim3A_197 : vector<304x1xf32> to vector<1x304x1xf32>
    tpu.vector_store %arg4[%swap3A_206, %swap3A_207, %swap3A_208], %swap3A_211 {strides = array<i32>} : memref<8x304x1xf32, #tpu.memory_space<vmem>>, vector<1x304x1xf32>,
    %swap3A_212 = arith.constant 1 : index
    %swap3A_213 = arith.constant 0 : index
    %swap3A_214 = arith.constant 0 : index
    %swap3A_215 = vector.load %arg5[%swap3A_212, %swap3A_213, %swap3A_214] : memref<8x304x1xf32, #tpu.memory_space<vmem>>, vector<1x304x1xf32>
    %swap3A_216 = vector.shape_cast %swap3A_215 : vector<1x304x1xf32> to vector<304x1xf32>
    %swap3A_217 = vector.shape_cast %add3A_205 : vector<304x1xf32> to vector<1x304x1xf32>
    tpu.vector_store %arg5[%swap3A_212, %swap3A_213, %swap3A_214], %swap3A_217 {strides = array<i32>} : memref<8x304x1xf32, #tpu.memory_space<vmem>>, vector<1x304x1xf32>,
    %slice3A_218 = vector.extract_strided_slice %logistic3A_11 {offsets = [2, 0, 0], sizes = [1, 625, 128], strides = [1, 1, 1]} : vector<8x625x128xf32> to vector<1x625x128xf32>
    %squeeze3A_219 = vector.shape_cast %slice3A_218 : vector<1x625x128xf32> to vector<625x128xf32>
    %slice3A_220 = vector.extract_strided_slice %bitcast_convert_type3A {offsets = [2, 0, 0], sizes = [1, 1, 1], strides = [1, 1, 1]} : vector<8x1x1xf32> to vector<1x1x1xf32>
    %squeeze3A_221 = vector.shape_cast %slice3A_220 : vector<1x1x1xf32> to vector<1x1xf32>
    %slice3A_222 = vector.extract_strided_slice %convert_element_type3A_28 {offsets = [2, 0, 0], sizes = [1, 1, 1], strides = [1, 1, 1]} : vector<8x1x1xf32> to vector<1x1x1xf32>
    %squeeze3A_223 = vector.shape_cast %slice3A_222 : vector<1x1x1xf32> to vector<1x1xf32>
    %gt3A_224 = vector.broadcast %squeeze3A_221 : vector<1x1xf32> to vector<625x128xf32>
    %gt3A_225 = arith.cmpf ogt, %squeeze3A_219, %gt3A_224 : vector<625x128xf32>
    %convert_element_type3A_226 = arith.extui %gt3A_225 : vector<625x128xi1> to vector<625x128xi32>
    %convert_element_type3A_227 = arith.sitofp %convert_element_type3A_226 : vector<625x128xi32> to vector<625x128xf32>
    %eq3A_228 = vector.broadcast %squeeze3A_221 : vector<1x1xf32> to vector<625x128xf32>
    %eq3A_229 = arith.cmpf oeq, %squeeze3A_219, %eq3A_228 : vector<625x128xf32>
    %convert_element_type3A_230 = arith.extui %eq3A_229 : vector<625x128xi1> to vector<625x128xi32>
    %convert_element_type3A_231 = arith.sitofp %convert_element_type3A_230 : vector<625x128xi32> to vector<625x128xf32>
    %dot_general3A_232 = arith.constant dense<0.000000e+00> : vector<625x1xf32>
    %dot_general3A_233 = tpu.matmul %convert_element_type3A_231, %broadcast_in_dim3A_45, %dot_general3A_232 {dimension_numbers = #tpu.dot_dimension_numbers<[1], [0], [0], [1], [0, 0, 1, 1], [], []>, transpose_lhs_hint = false} : vector<625x128xf32>, vector<128x1xf32>, vector<625x1xf32> -> vector<625x1xf32>
    %dot_general3A_234 = arith.constant dense<0.000000e+00> : vector<625x1xf32>
    %dot_general3A_235 = tpu.matmul %convert_element_type3A_33, %dot_general3A_233, %dot_general3A_234 {dimension_numbers = #tpu.dot_dimension_numbers<[1], [0], [0], [1], [0, 0, 1, 1], [], []>, transpose_lhs_hint = false} : vector<625x625xf32>, vector<625x1xf32>, vector<625x1xf32> -> vector<625x1xf32>
    %dot_general3A_236 = arith.constant dense<0.000000e+00> : vector<625x128xf32>
    %dot_general3A_237 = tpu.matmul %convert_element_type3A_231, %convert_element_type3A_41, %dot_general3A_236 {dimension_numbers = #tpu.dot_dimension_numbers<[1], [0], [0], [1], [0, 0, 1, 1], [], []>, transpose_lhs_hint = false} : vector<625x128xf32>, vector<128x128xf32>, vector<625x128xf32> -> vector<625x128xf32>
    %add3A_238 = vector.broadcast %dot_general3A_235 : vector<625x1xf32> to vector<625x128xf32>
    %add3A_239 = arith.addf %add3A_238, %dot_general3A_237 : vector<625x128xf32>
    %lt3A_240 = vector.broadcast %squeeze3A_223 : vector<1x1xf32> to vector<625x128xf32>
    %lt3A_241 = arith.cmpf olt, %add3A_239, %lt3A_240 : vector<625x128xf32>
    %convert_element_type3A_242 = arith.extui %lt3A_241 : vector<625x128xi1> to vector<625x128xi32>
    %convert_element_type3A_243 = arith.sitofp %convert_element_type3A_242 : vector<625x128xi32> to vector<625x128xf32>
    %mul3A_244 = arith.mulf %convert_element_type3A_231, %convert_element_type3A_243 : vector<625x128xf32>
    %add3A_245 = arith.addf %convert_element_type3A_227, %mul3A_244 : vector<625x128xf32>
    %dot_general3A_246 = arith.constant dense<0.000000e+00> : vector<1x128xf32>
    %dot_general3A_247 = tpu.matmul %broadcast_in_dim3A_43, %add3A_245, %dot_general3A_246 {dimension_numbers = #tpu.dot_dimension_numbers<[1], [0], [0], [1], [0, 0, 1, 1], [], []>, transpose_lhs_hint = false} : vector<1x625xf32>, vector<625x128xf32>, vector<1x128xf32> -> vector<1x128xf32>
    %dot_general3A_248 = arith.constant dense<0.000000e+00> : vector<1x128xf32>
    %dot_general3A_249 = tpu.matmul %dot_general3A_247, %convert_element_type3A_38, %dot_general3A_248 {dimension_numbers = #tpu.dot_dimension_numbers<[1], [0], [0], [1], [0, 0, 1, 1], [], []>, precision = #tpu.contract_precision<fp32>, transpose_lhs_hint = false} : vector<1x128xf32>, vector<128x128xf32>, vector<1x128xf32> -> vector<1x128xf32>
    %dot_general3A_250 = arith.constant dense<0.000000e+00> : vector<625x128xf32>
    %dot_general3A_251 = tpu.matmul %convert_element_type3A_31, %add3A_245, %dot_general3A_250 {dimension_numbers = #tpu.dot_dimension_numbers<[1], [0], [0], [1], [0, 0, 1, 1], [], []>, transpose_lhs_hint = false} : vector<625x625xf32>, vector<625x128xf32>, vector<625x128xf32> -> vector<625x128xf32>
    %sub3A_252 = arith.subf %dot_general3A_251, %add3A_245 : vector<625x128xf32>
    %le3A_253 = vector.broadcast %dot_general3A_249 : vector<1x128xf32> to vector<304x128xf32>
    %le3A_254 = arith.cmpf ole, %le3A_253, %convert_element_type3A_47 : vector<304x128xf32>
    %add3A_255 = arith.addf %dot_general3A_249, %dot_general3A_247 : vector<1x128xf32>
    %lt3A_256 = vector.broadcast %add3A_255 : vector<1x128xf32> to vector<304x128xf32>
    %lt3A_257 = arith.cmpf olt, %convert_element_type3A_47, %lt3A_256 : vector<304x128xf32>
    %and3A_258 = arith.andi %le3A_254, %lt3A_257 : vector<304x128xi1>
    %convert_element_type3A_259 = arith.extui %and3A_258 : vector<304x128xi1> to vector<304x128xi32>
    %convert_element_type3A_260 = arith.sitofp %convert_element_type3A_259 : vector<304x128xi32> to vector<304x128xf32>
    %dot_general3A_261 = arith.constant dense<0.000000e+00> : vector<304x1xf32>
    %dot_general3A_262 = tpu.matmul %convert_element_type3A_260, %convert_element_type3A_49, %dot_general3A_261 {dimension_numbers = #tpu.dot_dimension_numbers<[1], [1], [0], [0], [0, 0, 1, 0], [], []>, transpose_lhs_hint = false} : vector<304x128xf32>, vector<1x128xf32>, vector<304x1xf32> -> vector<304x1xf32>
    %mul3A_263 = arith.mulf %convert_element_type3A_260, %convert_element_type3A_47 : vector<304x128xf32>
    %reduce_sum3A_264 = arith.constant dense<0.000000e+00> : vector<304xf32>
    %reduce_sum3A_265 = vector.multi_reduction <add>, %mul3A_263, %reduce_sum3A_264 [1] : vector<304x128xf32> to vector<304xf32>
    %broadcast_in_dim3A_266 = vector.shape_cast %reduce_sum3A_265 : vector<304xf32> to vector<304x1xf32>
    %dot_general3A_267 = arith.constant dense<0.000000e+00> : vector<304x1xf32>
    %dot_general3A_268 = tpu.matmul %convert_element_type3A_260, %dot_general3A_249, %dot_general3A_267 {dimension_numbers = #tpu.dot_dimension_numbers<[1], [1], [0], [0], [0, 0, 1, 0], [], []>, precision = #tpu.contract_precision<fp32>, transpose_lhs_hint = false} : vector<304x128xf32>, vector<1x128xf32>, vector<304x1xf32> -> vector<304x1xf32>
    %sub3A_269 = arith.subf %broadcast_in_dim3A_266, %dot_general3A_268 : vector<304x1xf32>
    %dot_general3A_270 = arith.constant dense<0.000000e+00> : vector<304x625xf32>
    %dot_general3A_271 = tpu.matmul %convert_element_type3A_260, %squeeze3A_219, %dot_general3A_270 {dimension_numbers = #tpu.dot_dimension_numbers<[1], [1], [0], [0], [0, 0, 1, 0], [], []>, precision = #tpu.contract_precision<fp32>, transpose_lhs_hint = false} : vector<304x128xf32>, vector<625x128xf32>, vector<304x625xf32> -> vector<304x625xf32>
    %dot_general3A_272 = arith.constant dense<0.000000e+00> : vector<304x625xf32>
    %dot_general3A_273 = tpu.matmul %convert_element_type3A_260, %sub3A_252, %dot_general3A_272 {dimension_numbers = #tpu.dot_dimension_numbers<[1], [1], [0], [0], [0, 0, 1, 0], [], []>, precision = #tpu.contract_precision<fp32>, transpose_lhs_hint = false} : vector<304x128xf32>, vector<625x128xf32>, vector<304x625xf32> -> vector<304x625xf32>
    %dot_general3A_274 = arith.constant dense<0.000000e+00> : vector<304x625xf32>
    %dot_general3A_275 = tpu.matmul %convert_element_type3A_260, %add3A_245, %dot_general3A_274 {dimension_numbers = #tpu.dot_dimension_numbers<[1], [1], [0], [0], [0, 0, 1, 0], [], []>, transpose_lhs_hint = false} : vector<304x128xf32>, vector<625x128xf32>, vector<304x625xf32> -> vector<304x625xf32>
    %eq3A_276 = vector.broadcast %sub3A_269 : vector<304x1xf32> to vector<304x625xf32>
    %eq3A_277 = arith.cmpf oeq, %dot_general3A_273, %eq3A_276 : vector<304x625xf32>
    %convert_element_type3A_278 = arith.extui %eq3A_277 : vector<304x625xi1> to vector<304x625xi32>
    %convert_element_type3A_279 = arith.sitofp %convert_element_type3A_278 : vector<304x625xi32> to vector<304x625xf32>
    %mul3A_280 = arith.mulf %dot_general3A_275, %convert_element_type3A_279 : vector<304x625xf32>
    %mul3A_281 = arith.mulf %mul3A_280, %dot_general3A_271 : vector<304x625xf32>
    %reduce_sum3A_282 = arith.constant dense<0.000000e+00> : vector<304xf32>
    %reduce_sum3A_283 = vector.multi_reduction <add>, %mul3A_281, %reduce_sum3A_282 [1] : vector<304x625xf32> to vector<304xf32>
    %broadcast_in_dim3A_284 = vector.shape_cast %reduce_sum3A_283 : vector<304xf32> to vector<304x1xf32>
    %mul3A_285 = arith.mulf %mul3A_280, %convert_element_type3A_51 : vector<304x625xf32>
    %reduce_sum3A_286 = arith.constant dense<0.000000e+00> : vector<304xf32>
    %reduce_sum3A_287 = vector.multi_reduction <add>, %mul3A_285, %reduce_sum3A_286 [1] : vector<304x625xf32> to vector<304xf32>
    %broadcast_in_dim3A_288 = vector.shape_cast %reduce_sum3A_287 : vector<304xf32> to vector<304x1xf32>
    %mul3A_289 = arith.constant 1.280000e+02 : f32
    %mul3A_290 = vector.broadcast %mul3A_289 : f32 to vector<304x1xf32>
    %mul3A_291 = arith.mulf %broadcast_in_dim3A_288, %mul3A_290 : vector<304x1xf32>
    %add3A_292 = arith.addf %mul3A_291, %dot_general3A_262 : vector<304x1xf32>
    %swap3A_293 = arith.constant 2 : index
    %swap3A_294 = arith.constant 0 : index
    %swap3A_295 = arith.constant 0 : index
    %swap3A_296 = vector.load %arg4[%swap3A_293, %swap3A_294, %swap3A_295] : memref<8x304x1xf32, #tpu.memory_space<vmem>>, vector<1x304x1xf32>
    %swap3A_297 = vector.shape_cast %swap3A_296 : vector<1x304x1xf32> to vector<304x1xf32>
    %swap3A_298 = vector.shape_cast %broadcast_in_dim3A_284 : vector<304x1xf32> to vector<1x304x1xf32>
    tpu.vector_store %arg4[%swap3A_293, %swap3A_294, %swap3A_295], %swap3A_298 {strides = array<i32>} : memref<8x304x1xf32, #tpu.memory_space<vmem>>, vector<1x304x1xf32>,
    %swap3A_299 = arith.constant 2 : index
    %swap3A_300 = arith.constant 0 : index
    %swap3A_301 = arith.constant 0 : index
    %swap3A_302 = vector.load %arg5[%swap3A_299, %swap3A_300, %swap3A_301] : memref<8x304x1xf32, #tpu.memory_space<vmem>>, vector<1x304x1xf32>
    %swap3A_303 = vector.shape_cast %swap3A_302 : vector<1x304x1xf32> to vector<304x1xf32>
    %swap3A_304 = vector.shape_cast %add3A_292 : vector<304x1xf32> to vector<1x304x1xf32>
    tpu.vector_store %arg5[%swap3A_299, %swap3A_300, %swap3A_301], %swap3A_304 {strides = array<i32>} : memref<8x304x1xf32, #tpu.memory_space<vmem>>, vector<1x304x1xf32>,
    %slice3A_305 = vector.extract_strided_slice %logistic3A_11 {offsets = [3, 0, 0], sizes = [1, 625, 128], strides = [1, 1, 1]} : vector<8x625x128xf32> to vector<1x625x128xf32>
    %squeeze3A_306 = vector.shape_cast %slice3A_305 : vector<1x625x128xf32> to vector<625x128xf32>
    %slice3A_307 = vector.extract_strided_slice %bitcast_convert_type3A {offsets = [3, 0, 0], sizes = [1, 1, 1], strides = [1, 1, 1]} : vector<8x1x1xf32> to vector<1x1x1xf32>
    %squeeze3A_308 = vector.shape_cast %slice3A_307 : vector<1x1x1xf32> to vector<1x1xf32>
    %slice3A_309 = vector.extract_strided_slice %convert_element_type3A_28 {offsets = [3, 0, 0], sizes = [1, 1, 1], strides = [1, 1, 1]} : vector<8x1x1xf32> to vector<1x1x1xf32>
    %squeeze3A_310 = vector.shape_cast %slice3A_309 : vector<1x1x1xf32> to vector<1x1xf32>
    %gt3A_311 = vector.broadcast %squeeze3A_308 : vector<1x1xf32> to vector<625x128xf32>
    %gt3A_312 = arith.cmpf ogt, %squeeze3A_306, %gt3A_311 : vector<625x128xf32>
    %convert_element_type3A_313 = arith.extui %gt3A_312 : vector<625x128xi1> to vector<625x128xi32>
    %convert_element_type3A_314 = arith.sitofp %convert_element_type3A_313 : vector<625x128xi32> to vector<625x128xf32>
    %eq3A_315 = vector.broadcast %squeeze3A_308 : vector<1x1xf32> to vector<625x128xf32>
    %eq3A_316 = arith.cmpf oeq, %squeeze3A_306, %eq3A_315 : vector<625x128xf32>
    %convert_element_type3A_317 = arith.extui %eq3A_316 : vector<625x128xi1> to vector<625x128xi32>
    %convert_element_type3A_318 = arith.sitofp %convert_element_type3A_317 : vector<625x128xi32> to vector<625x128xf32>
    %dot_general3A_319 = arith.constant dense<0.000000e+00> : vector<625x1xf32>
    %dot_general3A_320 = tpu.matmul %convert_element_type3A_318, %broadcast_in_dim3A_45, %dot_general3A_319 {dimension_numbers = #tpu.dot_dimension_numbers<[1], [0], [0], [1], [0, 0, 1, 1], [], []>, transpose_lhs_hint = false} : vector<625x128xf32>, vector<128x1xf32>, vector<625x1xf32> -> vector<625x1xf32>
    %dot_general3A_321 = arith.constant dense<0.000000e+00> : vector<625x1xf32>
    %dot_general3A_322 = tpu.matmul %convert_element_type3A_33, %dot_general3A_320, %dot_general3A_321 {dimension_numbers = #tpu.dot_dimension_numbers<[1], [0], [0], [1], [0, 0, 1, 1], [], []>, transpose_lhs_hint = false} : vector<625x625xf32>, vector<625x1xf32>, vector<625x1xf32> -> vector<625x1xf32>
    %dot_general3A_323 = arith.constant dense<0.000000e+00> : vector<625x128xf32>
    %dot_general3A_324 = tpu.matmul %convert_element_type3A_318, %convert_element_type3A_41, %dot_general3A_323 {dimension_numbers = #tpu.dot_dimension_numbers<[1], [0], [0], [1], [0, 0, 1, 1], [], []>, transpose_lhs_hint = false} : vector<625x128xf32>, vector<128x128xf32>, vector<625x128xf32> -> vector<625x128xf32>
    %add3A_325 = vector.broadcast %dot_general3A_322 : vector<625x1xf32> to vector<625x128xf32>
    %add3A_326 = arith.addf %add3A_325, %dot_general3A_324 : vector<625x128xf32>
    %lt3A_327 = vector.broadcast %squeeze3A_310 : vector<1x1xf32> to vector<625x128xf32>
    %lt3A_328 = arith.cmpf olt, %add3A_326, %lt3A_327 : vector<625x128xf32>
    %convert_element_type3A_329 = arith.extui %lt3A_328 : vector<625x128xi1> to vector<625x128xi32>
    %convert_element_type3A_330 = arith.sitofp %convert_element_type3A_329 : vector<625x128xi32> to vector<625x128xf32>
    %mul3A_331 = arith.mulf %convert_element_type3A_318, %convert_element_type3A_330 : vector<625x128xf32>
    %add3A_332 = arith.addf %convert_element_type3A_314, %mul3A_331 : vector<625x128xf32>
    %dot_general3A_333 = arith.constant dense<0.000000e+00> : vector<1x128xf32>
    %dot_general3A_334 = tpu.matmul %broadcast_in_dim3A_43, %add3A_332, %dot_general3A_333 {dimension_numbers = #tpu.dot_dimension_numbers<[1], [0], [0], [1], [0, 0, 1, 1], [], []>, transpose_lhs_hint = false} : vector<1x625xf32>, vector<625x128xf32>, vector<1x128xf32> -> vector<1x128xf32>
    %dot_general3A_335 = arith.constant dense<0.000000e+00> : vector<1x128xf32>
    %dot_general3A_336 = tpu.matmul %dot_general3A_334, %convert_element_type3A_38, %dot_general3A_335 {dimension_numbers = #tpu.dot_dimension_numbers<[1], [0], [0], [1], [0, 0, 1, 1], [], []>, precision = #tpu.contract_precision<fp32>, transpose_lhs_hint = false} : vector<1x128xf32>, vector<128x128xf32>, vector<1x128xf32> -> vector<1x128xf32>
    %dot_general3A_337 = arith.constant dense<0.000000e+00> : vector<625x128xf32>
    %dot_general3A_338 = tpu.matmul %convert_element_type3A_31, %add3A_332, %dot_general3A_337 {dimension_numbers = #tpu.dot_dimension_numbers<[1], [0], [0], [1], [0, 0, 1, 1], [], []>, transpose_lhs_hint = false} : vector<625x625xf32>, vector<625x128xf32>, vector<625x128xf32> -> vector<625x128xf32>
    %sub3A_339 = arith.subf %dot_general3A_338, %add3A_332 : vector<625x128xf32>
    %le3A_340 = vector.broadcast %dot_general3A_336 : vector<1x128xf32> to vector<304x128xf32>
    %le3A_341 = arith.cmpf ole, %le3A_340, %convert_element_type3A_47 : vector<304x128xf32>
    %add3A_342 = arith.addf %dot_general3A_336, %dot_general3A_334 : vector<1x128xf32>
    %lt3A_343 = vector.broadcast %add3A_342 : vector<1x128xf32> to vector<304x128xf32>
    %lt3A_344 = arith.cmpf olt, %convert_element_type3A_47, %lt3A_343 : vector<304x128xf32>
    %and3A_345 = arith.andi %le3A_341, %lt3A_344 : vector<304x128xi1>
    %convert_element_type3A_346 = arith.extui %and3A_345 : vector<304x128xi1> to vector<304x128xi32>
    %convert_element_type3A_347 = arith.sitofp %convert_element_type3A_346 : vector<304x128xi32> to vector<304x128xf32>
    %dot_general3A_348 = arith.constant dense<0.000000e+00> : vector<304x1xf32>
    %dot_general3A_349 = tpu.matmul %convert_element_type3A_347, %convert_element_type3A_49, %dot_general3A_348 {dimension_numbers = #tpu.dot_dimension_numbers<[1], [1], [0], [0], [0, 0, 1, 0], [], []>, transpose_lhs_hint = false} : vector<304x128xf32>, vector<1x128xf32>, vector<304x1xf32> -> vector<304x1xf32>
    %mul3A_350 = arith.mulf %convert_element_type3A_347, %convert_element_type3A_47 : vector<304x128xf32>
    %reduce_sum3A_351 = arith.constant dense<0.000000e+00> : vector<304xf32>
    %reduce_sum3A_352 = vector.multi_reduction <add>, %mul3A_350, %reduce_sum3A_351 [1] : vector<304x128xf32> to vector<304xf32>
    %broadcast_in_dim3A_353 = vector.shape_cast %reduce_sum3A_352 : vector<304xf32> to vector<304x1xf32>
    %dot_general3A_354 = arith.constant dense<0.000000e+00> : vector<304x1xf32>
    %dot_general3A_355 = tpu.matmul %convert_element_type3A_347, %dot_general3A_336, %dot_general3A_354 {dimension_numbers = #tpu.dot_dimension_numbers<[1], [1], [0], [0], [0, 0, 1, 0], [], []>, precision = #tpu.contract_precision<fp32>, transpose_lhs_hint = false} : vector<304x128xf32>, vector<1x128xf32>, vector<304x1xf32> -> vector<304x1xf32>
    %sub3A_356 = arith.subf %broadcast_in_dim3A_353, %dot_general3A_355 : vector<304x1xf32>
    %dot_general3A_357 = arith.constant dense<0.000000e+00> : vector<304x625xf32>
    %dot_general3A_358 = tpu.matmul %convert_element_type3A_347, %squeeze3A_306, %dot_general3A_357 {dimension_numbers = #tpu.dot_dimension_numbers<[1], [1], [0], [0], [0, 0, 1, 0], [], []>, precision = #tpu.contract_precision<fp32>, transpose_lhs_hint = false} : vector<304x128xf32>, vector<625x128xf32>, vector<304x625xf32> -> vector<304x625xf32>
    %dot_general3A_359 = arith.constant dense<0.000000e+00> : vector<304x625xf32>
    %dot_general3A_360 = tpu.matmul %convert_element_type3A_347, %sub3A_339, %dot_general3A_359 {dimension_numbers = #tpu.dot_dimension_numbers<[1], [1], [0], [0], [0, 0, 1, 0], [], []>, precision = #tpu.contract_precision<fp32>, transpose_lhs_hint = false} : vector<304x128xf32>, vector<625x128xf32>, vector<304x625xf32> -> vector<304x625xf32>
    %dot_general3A_361 = arith.constant dense<0.000000e+00> : vector<304x625xf32>
    %dot_general3A_362 = tpu.matmul %convert_element_type3A_347, %add3A_332, %dot_general3A_361 {dimension_numbers = #tpu.dot_dimension_numbers<[1], [1], [0], [0], [0, 0, 1, 0], [], []>, transpose_lhs_hint = false} : vector<304x128xf32>, vector<625x128xf32>, vector<304x625xf32> -> vector<304x625xf32>
    %eq3A_363 = vector.broadcast %sub3A_356 : vector<304x1xf32> to vector<304x625xf32>
    %eq3A_364 = arith.cmpf oeq, %dot_general3A_360, %eq3A_363 : vector<304x625xf32>
    %convert_element_type3A_365 = arith.extui %eq3A_364 : vector<304x625xi1> to vector<304x625xi32>
    %convert_element_type3A_366 = arith.sitofp %convert_element_type3A_365 : vector<304x625xi32> to vector<304x625xf32>
    %mul3A_367 = arith.mulf %dot_general3A_362, %convert_element_type3A_366 : vector<304x625xf32>
    %mul3A_368 = arith.mulf %mul3A_367, %dot_general3A_358 : vector<304x625xf32>
    %reduce_sum3A_369 = arith.constant dense<0.000000e+00> : vector<304xf32>
    %reduce_sum3A_370 = vector.multi_reduction <add>, %mul3A_368, %reduce_sum3A_369 [1] : vector<304x625xf32> to vector<304xf32>
    %broadcast_in_dim3A_371 = vector.shape_cast %reduce_sum3A_370 : vector<304xf32> to vector<304x1xf32>
    %mul3A_372 = arith.mulf %mul3A_367, %convert_element_type3A_51 : vector<304x625xf32>
    %reduce_sum3A_373 = arith.constant dense<0.000000e+00> : vector<304xf32>
    %reduce_sum3A_374 = vector.multi_reduction <add>, %mul3A_372, %reduce_sum3A_373 [1] : vector<304x625xf32> to vector<304xf32>
    %broadcast_in_dim3A_375 = vector.shape_cast %reduce_sum3A_374 : vector<304xf32> to vector<304x1xf32>
    %mul3A_376 = arith.constant 1.280000e+02 : f32
    %mul3A_377 = vector.broadcast %mul3A_376 : f32 to vector<304x1xf32>
    %mul3A_378 = arith.mulf %broadcast_in_dim3A_375, %mul3A_377 : vector<304x1xf32>
    %add3A_379 = arith.addf %mul3A_378, %dot_general3A_349 : vector<304x1xf32>
    %swap3A_380 = arith.constant 3 : index
    %swap3A_381 = arith.constant 0 : index
    %swap3A_382 = arith.constant 0 : index
    %swap3A_383 = vector.load %arg4[%swap3A_380, %swap3A_381, %swap3A_382] : memref<8x304x1xf32, #tpu.memory_space<vmem>>, vector<1x304x1xf32>
    %swap3A_384 = vector.shape_cast %swap3A_383 : vector<1x304x1xf32> to vector<304x1xf32>
    %swap3A_385 = vector.shape_cast %broadcast_in_dim3A_371 : vector<304x1xf32> to vector<1x304x1xf32>
    tpu.vector_store %arg4[%swap3A_380, %swap3A_381, %swap3A_382], %swap3A_385 {strides = array<i32>} : memref<8x304x1xf32, #tpu.memory_space<vmem>>, vector<1x304x1xf32>,
    %swap3A_386 = arith.constant 3 : index
    %swap3A_387 = arith.constant 0 : index
    %swap3A_388 = arith.constant 0 : index
    %swap3A_389 = vector.load %arg5[%swap3A_386, %swap3A_387, %swap3A_388] : memref<8x304x1xf32, #tpu.memory_space<vmem>>, vector<1x304x1xf32>
    %swap3A_390 = vector.shape_cast %swap3A_389 : vector<1x304x1xf32> to vector<304x1xf32>
    %swap3A_391 = vector.shape_cast %add3A_379 : vector<304x1xf32> to vector<1x304x1xf32>
    tpu.vector_store %arg5[%swap3A_386, %swap3A_387, %swap3A_388], %swap3A_391 {strides = array<i32>} : memref<8x304x1xf32, #tpu.memory_space<vmem>>, vector<1x304x1xf32>,
    %slice3A_392 = vector.extract_strided_slice %logistic3A_11 {offsets = [4, 0, 0], sizes = [1, 625, 128], strides = [1, 1, 1]} : vector<8x625x128xf32> to vector<1x625x128xf32>
    %squeeze3A_393 = vector.shape_cast %slice3A_392 : vector<1x625x128xf32> to vector<625x128xf32>
    %slice3A_394 = vector.extract_strided_slice %bitcast_convert_type3A {offsets = [4, 0, 0], sizes = [1, 1, 1], strides = [1, 1, 1]} : vector<8x1x1xf32> to vector<1x1x1xf32>
    %squeeze3A_395 = vector.shape_cast %slice3A_394 : vector<1x1x1xf32> to vector<1x1xf32>
    %slice3A_396 = vector.extract_strided_slice %convert_element_type3A_28 {offsets = [4, 0, 0], sizes = [1, 1, 1], strides = [1, 1, 1]} : vector<8x1x1xf32> to vector<1x1x1xf32>
    %squeeze3A_397 = vector.shape_cast %slice3A_396 : vector<1x1x1xf32> to vector<1x1xf32>
    %gt3A_398 = vector.broadcast %squeeze3A_395 : vector<1x1xf32> to vector<625x128xf32>
    %gt3A_399 = arith.cmpf ogt, %squeeze3A_393, %gt3A_398 : vector<625x128xf32>
    %convert_element_type3A_400 = arith.extui %gt3A_399 : vector<625x128xi1> to vector<625x128xi32>
    %convert_element_type3A_401 = arith.sitofp %convert_element_type3A_400 : vector<625x128xi32> to vector<625x128xf32>
    %eq3A_402 = vector.broadcast %squeeze3A_395 : vector<1x1xf32> to vector<625x128xf32>
    %eq3A_403 = arith.cmpf oeq, %squeeze3A_393, %eq3A_402 : vector<625x128xf32>
    %convert_element_type3A_404 = arith.extui %eq3A_403 : vector<625x128xi1> to vector<625x128xi32>
    %convert_element_type3A_405 = arith.sitofp %convert_element_type3A_404 : vector<625x128xi32> to vector<625x128xf32>
    %dot_general3A_406 = arith.constant dense<0.000000e+00> : vector<625x1xf32>
    %dot_general3A_407 = tpu.matmul %convert_element_type3A_405, %broadcast_in_dim3A_45, %dot_general3A_406 {dimension_numbers = #tpu.dot_dimension_numbers<[1], [0], [0], [1], [0, 0, 1, 1], [], []>, transpose_lhs_hint = false} : vector<625x128xf32>, vector<128x1xf32>, vector<625x1xf32> -> vector<625x1xf32>
    %dot_general3A_408 = arith.constant dense<0.000000e+00> : vector<625x1xf32>
    %dot_general3A_409 = tpu.matmul %convert_element_type3A_33, %dot_general3A_407, %dot_general3A_408 {dimension_numbers = #tpu.dot_dimension_numbers<[1], [0], [0], [1], [0, 0, 1, 1], [], []>, transpose_lhs_hint = false} : vector<625x625xf32>, vector<625x1xf32>, vector<625x1xf32> -> vector<625x1xf32>
    %dot_general3A_410 = arith.constant dense<0.000000e+00> : vector<625x128xf32>
    %dot_general3A_411 = tpu.matmul %convert_element_type3A_405, %convert_element_type3A_41, %dot_general3A_410 {dimension_numbers = #tpu.dot_dimension_numbers<[1], [0], [0], [1], [0, 0, 1, 1], [], []>, transpose_lhs_hint = false} : vector<625x128xf32>, vector<128x128xf32>, vector<625x128xf32> -> vector<625x128xf32>
    %add3A_412 = vector.broadcast %dot_general3A_409 : vector<625x1xf32> to vector<625x128xf32>
    %add3A_413 = arith.addf %add3A_412, %dot_general3A_411 : vector<625x128xf32>
    %lt3A_414 = vector.broadcast %squeeze3A_397 : vector<1x1xf32> to vector<625x128xf32>
    %lt3A_415 = arith.cmpf olt, %add3A_413, %lt3A_414 : vector<625x128xf32>
    %convert_element_type3A_416 = arith.extui %lt3A_415 : vector<625x128xi1> to vector<625x128xi32>
    %convert_element_type3A_417 = arith.sitofp %convert_element_type3A_416 : vector<625x128xi32> to vector<625x128xf32>
    %mul3A_418 = arith.mulf %convert_element_type3A_405, %convert_element_type3A_417 : vector<625x128xf32>
    %add3A_419 = arith.addf %convert_element_type3A_401, %mul3A_418 : vector<625x128xf32>
    %dot_general3A_420 = arith.constant dense<0.000000e+00> : vector<1x128xf32>
    %dot_general3A_421 = tpu.matmul %broadcast_in_dim3A_43, %add3A_419, %dot_general3A_420 {dimension_numbers = #tpu.dot_dimension_numbers<[1], [0], [0], [1], [0, 0, 1, 1], [], []>, transpose_lhs_hint = false} : vector<1x625xf32>, vector<625x128xf32>, vector<1x128xf32> -> vector<1x128xf32>
    %dot_general3A_422 = arith.constant dense<0.000000e+00> : vector<1x128xf32>
    %dot_general3A_423 = tpu.matmul %dot_general3A_421, %convert_element_type3A_38, %dot_general3A_422 {dimension_numbers = #tpu.dot_dimension_numbers<[1], [0], [0], [1], [0, 0, 1, 1], [], []>, precision = #tpu.contract_precision<fp32>, transpose_lhs_hint = false} : vector<1x128xf32>, vector<128x128xf32>, vector<1x128xf32> -> vector<1x128xf32>
    %dot_general3A_424 = arith.constant dense<0.000000e+00> : vector<625x128xf32>
    %dot_general3A_425 = tpu.matmul %convert_element_type3A_31, %add3A_419, %dot_general3A_424 {dimension_numbers = #tpu.dot_dimension_numbers<[1], [0], [0], [1], [0, 0, 1, 1], [], []>, transpose_lhs_hint = false} : vector<625x625xf32>, vector<625x128xf32>, vector<625x128xf32> -> vector<625x128xf32>
    %sub3A_426 = arith.subf %dot_general3A_425, %add3A_419 : vector<625x128xf32>
    %le3A_427 = vector.broadcast %dot_general3A_423 : vector<1x128xf32> to vector<304x128xf32>
    %le3A_428 = arith.cmpf ole, %le3A_427, %convert_element_type3A_47 : vector<304x128xf32>
    %add3A_429 = arith.addf %dot_general3A_423, %dot_general3A_421 : vector<1x128xf32>
    %lt3A_430 = vector.broadcast %add3A_429 : vector<1x128xf32> to vector<304x128xf32>
    %lt3A_431 = arith.cmpf olt, %convert_element_type3A_47, %lt3A_430 : vector<304x128xf32>
    %and3A_432 = arith.andi %le3A_428, %lt3A_431 : vector<304x128xi1>
    %convert_element_type3A_433 = arith.extui %and3A_432 : vector<304x128xi1> to vector<304x128xi32>
    %convert_element_type3A_434 = arith.sitofp %convert_element_type3A_433 : vector<304x128xi32> to vector<304x128xf32>
    %dot_general3A_435 = arith.constant dense<0.000000e+00> : vector<304x1xf32>
    %dot_general3A_436 = tpu.matmul %convert_element_type3A_434, %convert_element_type3A_49, %dot_general3A_435 {dimension_numbers = #tpu.dot_dimension_numbers<[1], [1], [0], [0], [0, 0, 1, 0], [], []>, transpose_lhs_hint = false} : vector<304x128xf32>, vector<1x128xf32>, vector<304x1xf32> -> vector<304x1xf32>
    %mul3A_437 = arith.mulf %convert_element_type3A_434, %convert_element_type3A_47 : vector<304x128xf32>
    %reduce_sum3A_438 = arith.constant dense<0.000000e+00> : vector<304xf32>
    %reduce_sum3A_439 = vector.multi_reduction <add>, %mul3A_437, %reduce_sum3A_438 [1] : vector<304x128xf32> to vector<304xf32>
    %broadcast_in_dim3A_440 = vector.shape_cast %reduce_sum3A_439 : vector<304xf32> to vector<304x1xf32>
    %dot_general3A_441 = arith.constant dense<0.000000e+00> : vector<304x1xf32>
    %dot_general3A_442 = tpu.matmul %convert_element_type3A_434, %dot_general3A_423, %dot_general3A_441 {dimension_numbers = #tpu.dot_dimension_numbers<[1], [1], [0], [0], [0, 0, 1, 0], [], []>, precision = #tpu.contract_precision<fp32>, transpose_lhs_hint = false} : vector<304x128xf32>, vector<1x128xf32>, vector<304x1xf32> -> vector<304x1xf32>
    %sub3A_443 = arith.subf %broadcast_in_dim3A_440, %dot_general3A_442 : vector<304x1xf32>
    %dot_general3A_444 = arith.constant dense<0.000000e+00> : vector<304x625xf32>
    %dot_general3A_445 = tpu.matmul %convert_element_type3A_434, %squeeze3A_393, %dot_general3A_444 {dimension_numbers = #tpu.dot_dimension_numbers<[1], [1], [0], [0], [0, 0, 1, 0], [], []>, precision = #tpu.contract_precision<fp32>, transpose_lhs_hint = false} : vector<304x128xf32>, vector<625x128xf32>, vector<304x625xf32> -> vector<304x625xf32>
    %dot_general3A_446 = arith.constant dense<0.000000e+00> : vector<304x625xf32>
    %dot_general3A_447 = tpu.matmul %convert_element_type3A_434, %sub3A_426, %dot_general3A_446 {dimension_numbers = #tpu.dot_dimension_numbers<[1], [1], [0], [0], [0, 0, 1, 0], [], []>, precision = #tpu.contract_precision<fp32>, transpose_lhs_hint = false} : vector<304x128xf32>, vector<625x128xf32>, vector<304x625xf32> -> vector<304x625xf32>
    %dot_general3A_448 = arith.constant dense<0.000000e+00> : vector<304x625xf32>
    %dot_general3A_449 = tpu.matmul %convert_element_type3A_434, %add3A_419, %dot_general3A_448 {dimension_numbers = #tpu.dot_dimension_numbers<[1], [1], [0], [0], [0, 0, 1, 0], [], []>, transpose_lhs_hint = false} : vector<304x128xf32>, vector<625x128xf32>, vector<304x625xf32> -> vector<304x625xf32>
    %eq3A_450 = vector.broadcast %sub3A_443 : vector<304x1xf32> to vector<304x625xf32>
    %eq3A_451 = arith.cmpf oeq, %dot_general3A_447, %eq3A_450 : vector<304x625xf32>
    %convert_element_type3A_452 = arith.extui %eq3A_451 : vector<304x625xi1> to vector<304x625xi32>
    %convert_element_type3A_453 = arith.sitofp %convert_element_type3A_452 : vector<304x625xi32> to vector<304x625xf32>
    %mul3A_454 = arith.mulf %dot_general3A_449, %convert_element_type3A_453 : vector<304x625xf32>
    %mul3A_455 = arith.mulf %mul3A_454, %dot_general3A_445 : vector<304x625xf32>
    %reduce_sum3A_456 = arith.constant dense<0.000000e+00> : vector<304xf32>
    %reduce_sum3A_457 = vector.multi_reduction <add>, %mul3A_455, %reduce_sum3A_456 [1] : vector<304x625xf32> to vector<304xf32>
    %broadcast_in_dim3A_458 = vector.shape_cast %reduce_sum3A_457 : vector<304xf32> to vector<304x1xf32>
    %mul3A_459 = arith.mulf %mul3A_454, %convert_element_type3A_51 : vector<304x625xf32>
    %reduce_sum3A_460 = arith.constant dense<0.000000e+00> : vector<304xf32>
    %reduce_sum3A_461 = vector.multi_reduction <add>, %mul3A_459, %reduce_sum3A_460 [1] : vector<304x625xf32> to vector<304xf32>
    %broadcast_in_dim3A_462 = vector.shape_cast %reduce_sum3A_461 : vector<304xf32> to vector<304x1xf32>
    %mul3A_463 = arith.constant 1.280000e+02 : f32
    %mul3A_464 = vector.broadcast %mul3A_463 : f32 to vector<304x1xf32>
    %mul3A_465 = arith.mulf %broadcast_in_dim3A_462, %mul3A_464 : vector<304x1xf32>
    %add3A_466 = arith.addf %mul3A_465, %dot_general3A_436 : vector<304x1xf32>
    %swap3A_467 = arith.constant 4 : index
    %swap3A_468 = arith.constant 0 : index
    %swap3A_469 = arith.constant 0 : index
    %swap3A_470 = vector.load %arg4[%swap3A_467, %swap3A_468, %swap3A_469] : memref<8x304x1xf32, #tpu.memory_space<vmem>>, vector<1x304x1xf32>
    %swap3A_471 = vector.shape_cast %swap3A_470 : vector<1x304x1xf32> to vector<304x1xf32>
    %swap3A_472 = vector.shape_cast %broadcast_in_dim3A_458 : vector<304x1xf32> to vector<1x304x1xf32>
    tpu.vector_store %arg4[%swap3A_467, %swap3A_468, %swap3A_469], %swap3A_472 {strides = array<i32>} : memref<8x304x1xf32, #tpu.memory_space<vmem>>, vector<1x304x1xf32>,
    %swap3A_473 = arith.constant 4 : index
    %swap3A_474 = arith.constant 0 : index
    %swap3A_475 = arith.constant 0 : index
    %swap3A_476 = vector.load %arg5[%swap3A_473, %swap3A_474, %swap3A_475] : memref<8x304x1xf32, #tpu.memory_space<vmem>>, vector<1x304x1xf32>
    %swap3A_477 = vector.shape_cast %swap3A_476 : vector<1x304x1xf32> to vector<304x1xf32>
    %swap3A_478 = vector.shape_cast %add3A_466 : vector<304x1xf32> to vector<1x304x1xf32>
    tpu.vector_store %arg5[%swap3A_473, %swap3A_474, %swap3A_475], %swap3A_478 {strides = array<i32>} : memref<8x304x1xf32, #tpu.memory_space<vmem>>, vector<1x304x1xf32>,
    %slice3A_479 = vector.extract_strided_slice %logistic3A_11 {offsets = [5, 0, 0], sizes = [1, 625, 128], strides = [1, 1, 1]} : vector<8x625x128xf32> to vector<1x625x128xf32>
    %squeeze3A_480 = vector.shape_cast %slice3A_479 : vector<1x625x128xf32> to vector<625x128xf32>
    %slice3A_481 = vector.extract_strided_slice %bitcast_convert_type3A {offsets = [5, 0, 0], sizes = [1, 1, 1], strides = [1, 1, 1]} : vector<8x1x1xf32> to vector<1x1x1xf32>
    %squeeze3A_482 = vector.shape_cast %slice3A_481 : vector<1x1x1xf32> to vector<1x1xf32>
    %slice3A_483 = vector.extract_strided_slice %convert_element_type3A_28 {offsets = [5, 0, 0], sizes = [1, 1, 1], strides = [1, 1, 1]} : vector<8x1x1xf32> to vector<1x1x1xf32>
    %squeeze3A_484 = vector.shape_cast %slice3A_483 : vector<1x1x1xf32> to vector<1x1xf32>
    %gt3A_485 = vector.broadcast %squeeze3A_482 : vector<1x1xf32> to vector<625x128xf32>
    %gt3A_486 = arith.cmpf ogt, %squeeze3A_480, %gt3A_485 : vector<625x128xf32>
    %convert_element_type3A_487 = arith.extui %gt3A_486 : vector<625x128xi1> to vector<625x128xi32>
    %convert_element_type3A_488 = arith.sitofp %convert_element_type3A_487 : vector<625x128xi32> to vector<625x128xf32>
    %eq3A_489 = vector.broadcast %squeeze3A_482 : vector<1x1xf32> to vector<625x128xf32>
    %eq3A_490 = arith.cmpf oeq, %squeeze3A_480, %eq3A_489 : vector<625x128xf32>
    %convert_element_type3A_491 = arith.extui %eq3A_490 : vector<625x128xi1> to vector<625x128xi32>
    %convert_element_type3A_492 = arith.sitofp %convert_element_type3A_491 : vector<625x128xi32> to vector<625x128xf32>
    %dot_general3A_493 = arith.constant dense<0.000000e+00> : vector<625x1xf32>
    %dot_general3A_494 = tpu.matmul %convert_element_type3A_492, %broadcast_in_dim3A_45, %dot_general3A_493 {dimension_numbers = #tpu.dot_dimension_numbers<[1], [0], [0], [1], [0, 0, 1, 1], [], []>, transpose_lhs_hint = false} : vector<625x128xf32>, vector<128x1xf32>, vector<625x1xf32> -> vector<625x1xf32>
    %dot_general3A_495 = arith.constant dense<0.000000e+00> : vector<625x1xf32>
    %dot_general3A_496 = tpu.matmul %convert_element_type3A_33, %dot_general3A_494, %dot_general3A_495 {dimension_numbers = #tpu.dot_dimension_numbers<[1], [0], [0], [1], [0, 0, 1, 1], [], []>, transpose_lhs_hint = false} : vector<625x625xf32>, vector<625x1xf32>, vector<625x1xf32> -> vector<625x1xf32>
    %dot_general3A_497 = arith.constant dense<0.000000e+00> : vector<625x128xf32>
    %dot_general3A_498 = tpu.matmul %convert_element_type3A_492, %convert_element_type3A_41, %dot_general3A_497 {dimension_numbers = #tpu.dot_dimension_numbers<[1], [0], [0], [1], [0, 0, 1, 1], [], []>, transpose_lhs_hint = false} : vector<625x128xf32>, vector<128x128xf32>, vector<625x128xf32> -> vector<625x128xf32>
    %add3A_499 = vector.broadcast %dot_general3A_496 : vector<625x1xf32> to vector<625x128xf32>
    %add3A_500 = arith.addf %add3A_499, %dot_general3A_498 : vector<625x128xf32>
    %lt3A_501 = vector.broadcast %squeeze3A_484 : vector<1x1xf32> to vector<625x128xf32>
    %lt3A_502 = arith.cmpf olt, %add3A_500, %lt3A_501 : vector<625x128xf32>
    %convert_element_type3A_503 = arith.extui %lt3A_502 : vector<625x128xi1> to vector<625x128xi32>
    %convert_element_type3A_504 = arith.sitofp %convert_element_type3A_503 : vector<625x128xi32> to vector<625x128xf32>
    %mul3A_505 = arith.mulf %convert_element_type3A_492, %convert_element_type3A_504 : vector<625x128xf32>
    %add3A_506 = arith.addf %convert_element_type3A_488, %mul3A_505 : vector<625x128xf32>
    %dot_general3A_507 = arith.constant dense<0.000000e+00> : vector<1x128xf32>
    %dot_general3A_508 = tpu.matmul %broadcast_in_dim3A_43, %add3A_506, %dot_general3A_507 {dimension_numbers = #tpu.dot_dimension_numbers<[1], [0], [0], [1], [0, 0, 1, 1], [], []>, transpose_lhs_hint = false} : vector<1x625xf32>, vector<625x128xf32>, vector<1x128xf32> -> vector<1x128xf32>
    %dot_general3A_509 = arith.constant dense<0.000000e+00> : vector<1x128xf32>
    %dot_general3A_510 = tpu.matmul %dot_general3A_508, %convert_element_type3A_38, %dot_general3A_509 {dimension_numbers = #tpu.dot_dimension_numbers<[1], [0], [0], [1], [0, 0, 1, 1], [], []>, precision = #tpu.contract_precision<fp32>, transpose_lhs_hint = false} : vector<1x128xf32>, vector<128x128xf32>, vector<1x128xf32> -> vector<1x128xf32>
    %dot_general3A_511 = arith.constant dense<0.000000e+00> : vector<625x128xf32>
    %dot_general3A_512 = tpu.matmul %convert_element_type3A_31, %add3A_506, %dot_general3A_511 {dimension_numbers = #tpu.dot_dimension_numbers<[1], [0], [0], [1], [0, 0, 1, 1], [], []>, transpose_lhs_hint = false} : vector<625x625xf32>, vector<625x128xf32>, vector<625x128xf32> -> vector<625x128xf32>
    %sub3A_513 = arith.subf %dot_general3A_512, %add3A_506 : vector<625x128xf32>
    %le3A_514 = vector.broadcast %dot_general3A_510 : vector<1x128xf32> to vector<304x128xf32>
    %le3A_515 = arith.cmpf ole, %le3A_514, %convert_element_type3A_47 : vector<304x128xf32>
    %add3A_516 = arith.addf %dot_general3A_510, %dot_general3A_508 : vector<1x128xf32>
    %lt3A_517 = vector.broadcast %add3A_516 : vector<1x128xf32> to vector<304x128xf32>
    %lt3A_518 = arith.cmpf olt, %convert_element_type3A_47, %lt3A_517 : vector<304x128xf32>
    %and3A_519 = arith.andi %le3A_515, %lt3A_518 : vector<304x128xi1>
    %convert_element_type3A_520 = arith.extui %and3A_519 : vector<304x128xi1> to vector<304x128xi32>
    %convert_element_type3A_521 = arith.sitofp %convert_element_type3A_520 : vector<304x128xi32> to vector<304x128xf32>
    %dot_general3A_522 = arith.constant dense<0.000000e+00> : vector<304x1xf32>
    %dot_general3A_523 = tpu.matmul %convert_element_type3A_521, %convert_element_type3A_49, %dot_general3A_522 {dimension_numbers = #tpu.dot_dimension_numbers<[1], [1], [0], [0], [0, 0, 1, 0], [], []>, transpose_lhs_hint = false} : vector<304x128xf32>, vector<1x128xf32>, vector<304x1xf32> -> vector<304x1xf32>
    %mul3A_524 = arith.mulf %convert_element_type3A_521, %convert_element_type3A_47 : vector<304x128xf32>
    %reduce_sum3A_525 = arith.constant dense<0.000000e+00> : vector<304xf32>
    %reduce_sum3A_526 = vector.multi_reduction <add>, %mul3A_524, %reduce_sum3A_525 [1] : vector<304x128xf32> to vector<304xf32>
    %broadcast_in_dim3A_527 = vector.shape_cast %reduce_sum3A_526 : vector<304xf32> to vector<304x1xf32>
    %dot_general3A_528 = arith.constant dense<0.000000e+00> : vector<304x1xf32>
    %dot_general3A_529 = tpu.matmul %convert_element_type3A_521, %dot_general3A_510, %dot_general3A_528 {dimension_numbers = #tpu.dot_dimension_numbers<[1], [1], [0], [0], [0, 0, 1, 0], [], []>, precision = #tpu.contract_precision<fp32>, transpose_lhs_hint = false} : vector<304x128xf32>, vector<1x128xf32>, vector<304x1xf32> -> vector<304x1xf32>
    %sub3A_530 = arith.subf %broadcast_in_dim3A_527, %dot_general3A_529 : vector<304x1xf32>
    %dot_general3A_531 = arith.constant dense<0.000000e+00> : vector<304x625xf32>
    %dot_general3A_532 = tpu.matmul %convert_element_type3A_521, %squeeze3A_480, %dot_general3A_531 {dimension_numbers = #tpu.dot_dimension_numbers<[1], [1], [0], [0], [0, 0, 1, 0], [], []>, precision = #tpu.contract_precision<fp32>, transpose_lhs_hint = false} : vector<304x128xf32>, vector<625x128xf32>, vector<304x625xf32> -> vector<304x625xf32>
    %dot_general3A_533 = arith.constant dense<0.000000e+00> : vector<304x625xf32>
    %dot_general3A_534 = tpu.matmul %convert_element_type3A_521, %sub3A_513, %dot_general3A_533 {dimension_numbers = #tpu.dot_dimension_numbers<[1], [1], [0], [0], [0, 0, 1, 0], [], []>, precision = #tpu.contract_precision<fp32>, transpose_lhs_hint = false} : vector<304x128xf32>, vector<625x128xf32>, vector<304x625xf32> -> vector<304x625xf32>
    %dot_general3A_535 = arith.constant dense<0.000000e+00> : vector<304x625xf32>
    %dot_general3A_536 = tpu.matmul %convert_element_type3A_521, %add3A_506, %dot_general3A_535 {dimension_numbers = #tpu.dot_dimension_numbers<[1], [1], [0], [0], [0, 0, 1, 0], [], []>, transpose_lhs_hint = false} : vector<304x128xf32>, vector<625x128xf32>, vector<304x625xf32> -> vector<304x625xf32>
    %eq3A_537 = vector.broadcast %sub3A_530 : vector<304x1xf32> to vector<304x625xf32>
    %eq3A_538 = arith.cmpf oeq, %dot_general3A_534, %eq3A_537 : vector<304x625xf32>
    %convert_element_type3A_539 = arith.extui %eq3A_538 : vector<304x625xi1> to vector<304x625xi32>
    %convert_element_type3A_540 = arith.sitofp %convert_element_type3A_539 : vector<304x625xi32> to vector<304x625xf32>
    %mul3A_541 = arith.mulf %dot_general3A_536, %convert_element_type3A_540 : vector<304x625xf32>
    %mul3A_542 = arith.mulf %mul3A_541, %dot_general3A_532 : vector<304x625xf32>
    %reduce_sum3A_543 = arith.constant dense<0.000000e+00> : vector<304xf32>
    %reduce_sum3A_544 = vector.multi_reduction <add>, %mul3A_542, %reduce_sum3A_543 [1] : vector<304x625xf32> to vector<304xf32>
    %broadcast_in_dim3A_545 = vector.shape_cast %reduce_sum3A_544 : vector<304xf32> to vector<304x1xf32>
    %mul3A_546 = arith.mulf %mul3A_541, %convert_element_type3A_51 : vector<304x625xf32>
    %reduce_sum3A_547 = arith.constant dense<0.000000e+00> : vector<304xf32>
    %reduce_sum3A_548 = vector.multi_reduction <add>, %mul3A_546, %reduce_sum3A_547 [1] : vector<304x625xf32> to vector<304xf32>
    %broadcast_in_dim3A_549 = vector.shape_cast %reduce_sum3A_548 : vector<304xf32> to vector<304x1xf32>
    %mul3A_550 = arith.constant 1.280000e+02 : f32
    %mul3A_551 = vector.broadcast %mul3A_550 : f32 to vector<304x1xf32>
    %mul3A_552 = arith.mulf %broadcast_in_dim3A_549, %mul3A_551 : vector<304x1xf32>
    %add3A_553 = arith.addf %mul3A_552, %dot_general3A_523 : vector<304x1xf32>
    %swap3A_554 = arith.constant 5 : index
    %swap3A_555 = arith.constant 0 : index
    %swap3A_556 = arith.constant 0 : index
    %swap3A_557 = vector.load %arg4[%swap3A_554, %swap3A_555, %swap3A_556] : memref<8x304x1xf32, #tpu.memory_space<vmem>>, vector<1x304x1xf32>
    %swap3A_558 = vector.shape_cast %swap3A_557 : vector<1x304x1xf32> to vector<304x1xf32>
    %swap3A_559 = vector.shape_cast %broadcast_in_dim3A_545 : vector<304x1xf32> to vector<1x304x1xf32>
    tpu.vector_store %arg4[%swap3A_554, %swap3A_555, %swap3A_556], %swap3A_559 {strides = array<i32>} : memref<8x304x1xf32, #tpu.memory_space<vmem>>, vector<1x304x1xf32>,
    %swap3A_560 = arith.constant 5 : index
    %swap3A_561 = arith.constant 0 : index
    %swap3A_562 = arith.constant 0 : index
    %swap3A_563 = vector.load %arg5[%swap3A_560, %swap3A_561, %swap3A_562] : memref<8x304x1xf32, #tpu.memory_space<vmem>>, vector<1x304x1xf32>
    %swap3A_564 = vector.shape_cast %swap3A_563 : vector<1x304x1xf32> to vector<304x1xf32>
    %swap3A_565 = vector.shape_cast %add3A_553 : vector<304x1xf32> to vector<1x304x1xf32>
    tpu.vector_store %arg5[%swap3A_560, %swap3A_561, %swap3A_562], %swap3A_565 {strides = array<i32>} : memref<8x304x1xf32, #tpu.memory_space<vmem>>, vector<1x304x1xf32>,
    %slice3A_566 = vector.extract_strided_slice %logistic3A_11 {offsets = [6, 0, 0], sizes = [1, 625, 128], strides = [1, 1, 1]} : vector<8x625x128xf32> to vector<1x625x128xf32>
    %squeeze3A_567 = vector.shape_cast %slice3A_566 : vector<1x625x128xf32> to vector<625x128xf32>
    %slice3A_568 = vector.extract_strided_slice %bitcast_convert_type3A {offsets = [6, 0, 0], sizes = [1, 1, 1], strides = [1, 1, 1]} : vector<8x1x1xf32> to vector<1x1x1xf32>
    %squeeze3A_569 = vector.shape_cast %slice3A_568 : vector<1x1x1xf32> to vector<1x1xf32>
    %slice3A_570 = vector.extract_strided_slice %convert_element_type3A_28 {offsets = [6, 0, 0], sizes = [1, 1, 1], strides = [1, 1, 1]} : vector<8x1x1xf32> to vector<1x1x1xf32>
    %squeeze3A_571 = vector.shape_cast %slice3A_570 : vector<1x1x1xf32> to vector<1x1xf32>
    %gt3A_572 = vector.broadcast %squeeze3A_569 : vector<1x1xf32> to vector<625x128xf32>
    %gt3A_573 = arith.cmpf ogt, %squeeze3A_567, %gt3A_572 : vector<625x128xf32>
    %convert_element_type3A_574 = arith.extui %gt3A_573 : vector<625x128xi1> to vector<625x128xi32>
    %convert_element_type3A_575 = arith.sitofp %convert_element_type3A_574 : vector<625x128xi32> to vector<625x128xf32>
    %eq3A_576 = vector.broadcast %squeeze3A_569 : vector<1x1xf32> to vector<625x128xf32>
    %eq3A_577 = arith.cmpf oeq, %squeeze3A_567, %eq3A_576 : vector<625x128xf32>
    %convert_element_type3A_578 = arith.extui %eq3A_577 : vector<625x128xi1> to vector<625x128xi32>
    %convert_element_type3A_579 = arith.sitofp %convert_element_type3A_578 : vector<625x128xi32> to vector<625x128xf32>
    %dot_general3A_580 = arith.constant dense<0.000000e+00> : vector<625x1xf32>
    %dot_general3A_581 = tpu.matmul %convert_element_type3A_579, %broadcast_in_dim3A_45, %dot_general3A_580 {dimension_numbers = #tpu.dot_dimension_numbers<[1], [0], [0], [1], [0, 0, 1, 1], [], []>, transpose_lhs_hint = false} : vector<625x128xf32>, vector<128x1xf32>, vector<625x1xf32> -> vector<625x1xf32>
    %dot_general3A_582 = arith.constant dense<0.000000e+00> : vector<625x1xf32>
    %dot_general3A_583 = tpu.matmul %convert_element_type3A_33, %dot_general3A_581, %dot_general3A_582 {dimension_numbers = #tpu.dot_dimension_numbers<[1], [0], [0], [1], [0, 0, 1, 1], [], []>, transpose_lhs_hint = false} : vector<625x625xf32>, vector<625x1xf32>, vector<625x1xf32> -> vector<625x1xf32>
    %dot_general3A_584 = arith.constant dense<0.000000e+00> : vector<625x128xf32>
    %dot_general3A_585 = tpu.matmul %convert_element_type3A_579, %convert_element_type3A_41, %dot_general3A_584 {dimension_numbers = #tpu.dot_dimension_numbers<[1], [0], [0], [1], [0, 0, 1, 1], [], []>, transpose_lhs_hint = false} : vector<625x128xf32>, vector<128x128xf32>, vector<625x128xf32> -> vector<625x128xf32>
    %add3A_586 = vector.broadcast %dot_general3A_583 : vector<625x1xf32> to vector<625x128xf32>
    %add3A_587 = arith.addf %add3A_586, %dot_general3A_585 : vector<625x128xf32>
    %lt3A_588 = vector.broadcast %squeeze3A_571 : vector<1x1xf32> to vector<625x128xf32>
    %lt3A_589 = arith.cmpf olt, %add3A_587, %lt3A_588 : vector<625x128xf32>
    %convert_element_type3A_590 = arith.extui %lt3A_589 : vector<625x128xi1> to vector<625x128xi32>
    %convert_element_type3A_591 = arith.sitofp %convert_element_type3A_590 : vector<625x128xi32> to vector<625x128xf32>
    %mul3A_592 = arith.mulf %convert_element_type3A_579, %convert_element_type3A_591 : vector<625x128xf32>
    %add3A_593 = arith.addf %convert_element_type3A_575, %mul3A_592 : vector<625x128xf32>
    %dot_general3A_594 = arith.constant dense<0.000000e+00> : vector<1x128xf32>
    %dot_general3A_595 = tpu.matmul %broadcast_in_dim3A_43, %add3A_593, %dot_general3A_594 {dimension_numbers = #tpu.dot_dimension_numbers<[1], [0], [0], [1], [0, 0, 1, 1], [], []>, transpose_lhs_hint = false} : vector<1x625xf32>, vector<625x128xf32>, vector<1x128xf32> -> vector<1x128xf32>
    %dot_general3A_596 = arith.constant dense<0.000000e+00> : vector<1x128xf32>
    %dot_general3A_597 = tpu.matmul %dot_general3A_595, %convert_element_type3A_38, %dot_general3A_596 {dimension_numbers = #tpu.dot_dimension_numbers<[1], [0], [0], [1], [0, 0, 1, 1], [], []>, precision = #tpu.contract_precision<fp32>, transpose_lhs_hint = false} : vector<1x128xf32>, vector<128x128xf32>, vector<1x128xf32> -> vector<1x128xf32>
    %dot_general3A_598 = arith.constant dense<0.000000e+00> : vector<625x128xf32>
    %dot_general3A_599 = tpu.matmul %convert_element_type3A_31, %add3A_593, %dot_general3A_598 {dimension_numbers = #tpu.dot_dimension_numbers<[1], [0], [0], [1], [0, 0, 1, 1], [], []>, transpose_lhs_hint = false} : vector<625x625xf32>, vector<625x128xf32>, vector<625x128xf32> -> vector<625x128xf32>
    %sub3A_600 = arith.subf %dot_general3A_599, %add3A_593 : vector<625x128xf32>
    %le3A_601 = vector.broadcast %dot_general3A_597 : vector<1x128xf32> to vector<304x128xf32>
    %le3A_602 = arith.cmpf ole, %le3A_601, %convert_element_type3A_47 : vector<304x128xf32>
    %add3A_603 = arith.addf %dot_general3A_597, %dot_general3A_595 : vector<1x128xf32>
    %lt3A_604 = vector.broadcast %add3A_603 : vector<1x128xf32> to vector<304x128xf32>
    %lt3A_605 = arith.cmpf olt, %convert_element_type3A_47, %lt3A_604 : vector<304x128xf32>
    %and3A_606 = arith.andi %le3A_602, %lt3A_605 : vector<304x128xi1>
    %convert_element_type3A_607 = arith.extui %and3A_606 : vector<304x128xi1> to vector<304x128xi32>
    %convert_element_type3A_608 = arith.sitofp %convert_element_type3A_607 : vector<304x128xi32> to vector<304x128xf32>
    %dot_general3A_609 = arith.constant dense<0.000000e+00> : vector<304x1xf32>
    %dot_general3A_610 = tpu.matmul %convert_element_type3A_608, %convert_element_type3A_49, %dot_general3A_609 {dimension_numbers = #tpu.dot_dimension_numbers<[1], [1], [0], [0], [0, 0, 1, 0], [], []>, transpose_lhs_hint = false} : vector<304x128xf32>, vector<1x128xf32>, vector<304x1xf32> -> vector<304x1xf32>
    %mul3A_611 = arith.mulf %convert_element_type3A_608, %convert_element_type3A_47 : vector<304x128xf32>
    %reduce_sum3A_612 = arith.constant dense<0.000000e+00> : vector<304xf32>
    %reduce_sum3A_613 = vector.multi_reduction <add>, %mul3A_611, %reduce_sum3A_612 [1] : vector<304x128xf32> to vector<304xf32>
    %broadcast_in_dim3A_614 = vector.shape_cast %reduce_sum3A_613 : vector<304xf32> to vector<304x1xf32>
    %dot_general3A_615 = arith.constant dense<0.000000e+00> : vector<304x1xf32>
    %dot_general3A_616 = tpu.matmul %convert_element_type3A_608, %dot_general3A_597, %dot_general3A_615 {dimension_numbers = #tpu.dot_dimension_numbers<[1], [1], [0], [0], [0, 0, 1, 0], [], []>, precision = #tpu.contract_precision<fp32>, transpose_lhs_hint = false} : vector<304x128xf32>, vector<1x128xf32>, vector<304x1xf32> -> vector<304x1xf32>
    %sub3A_617 = arith.subf %broadcast_in_dim3A_614, %dot_general3A_616 : vector<304x1xf32>
    %dot_general3A_618 = arith.constant dense<0.000000e+00> : vector<304x625xf32>
    %dot_general3A_619 = tpu.matmul %convert_element_type3A_608, %squeeze3A_567, %dot_general3A_618 {dimension_numbers = #tpu.dot_dimension_numbers<[1], [1], [0], [0], [0, 0, 1, 0], [], []>, precision = #tpu.contract_precision<fp32>, transpose_lhs_hint = false} : vector<304x128xf32>, vector<625x128xf32>, vector<304x625xf32> -> vector<304x625xf32>
    %dot_general3A_620 = arith.constant dense<0.000000e+00> : vector<304x625xf32>
    %dot_general3A_621 = tpu.matmul %convert_element_type3A_608, %sub3A_600, %dot_general3A_620 {dimension_numbers = #tpu.dot_dimension_numbers<[1], [1], [0], [0], [0, 0, 1, 0], [], []>, precision = #tpu.contract_precision<fp32>, transpose_lhs_hint = false} : vector<304x128xf32>, vector<625x128xf32>, vector<304x625xf32> -> vector<304x625xf32>
    %dot_general3A_622 = arith.constant dense<0.000000e+00> : vector<304x625xf32>
    %dot_general3A_623 = tpu.matmul %convert_element_type3A_608, %add3A_593, %dot_general3A_622 {dimension_numbers = #tpu.dot_dimension_numbers<[1], [1], [0], [0], [0, 0, 1, 0], [], []>, transpose_lhs_hint = false} : vector<304x128xf32>, vector<625x128xf32>, vector<304x625xf32> -> vector<304x625xf32>
    %eq3A_624 = vector.broadcast %sub3A_617 : vector<304x1xf32> to vector<304x625xf32>
    %eq3A_625 = arith.cmpf oeq, %dot_general3A_621, %eq3A_624 : vector<304x625xf32>
    %convert_element_type3A_626 = arith.extui %eq3A_625 : vector<304x625xi1> to vector<304x625xi32>
    %convert_element_type3A_627 = arith.sitofp %convert_element_type3A_626 : vector<304x625xi32> to vector<304x625xf32>
    %mul3A_628 = arith.mulf %dot_general3A_623, %convert_element_type3A_627 : vector<304x625xf32>
    %mul3A_629 = arith.mulf %mul3A_628, %dot_general3A_619 : vector<304x625xf32>
    %reduce_sum3A_630 = arith.constant dense<0.000000e+00> : vector<304xf32>
    %reduce_sum3A_631 = vector.multi_reduction <add>, %mul3A_629, %reduce_sum3A_630 [1] : vector<304x625xf32> to vector<304xf32>
    %broadcast_in_dim3A_632 = vector.shape_cast %reduce_sum3A_631 : vector<304xf32> to vector<304x1xf32>
    %mul3A_633 = arith.mulf %mul3A_628, %convert_element_type3A_51 : vector<304x625xf32>
    %reduce_sum3A_634 = arith.constant dense<0.000000e+00> : vector<304xf32>
    %reduce_sum3A_635 = vector.multi_reduction <add>, %mul3A_633, %reduce_sum3A_634 [1] : vector<304x625xf32> to vector<304xf32>
    %broadcast_in_dim3A_636 = vector.shape_cast %reduce_sum3A_635 : vector<304xf32> to vector<304x1xf32>
    %mul3A_637 = arith.constant 1.280000e+02 : f32
    %mul3A_638 = vector.broadcast %mul3A_637 : f32 to vector<304x1xf32>
    %mul3A_639 = arith.mulf %broadcast_in_dim3A_636, %mul3A_638 : vector<304x1xf32>
    %add3A_640 = arith.addf %mul3A_639, %dot_general3A_610 : vector<304x1xf32>
    %swap3A_641 = arith.constant 6 : index
    %swap3A_642 = arith.constant 0 : index
    %swap3A_643 = arith.constant 0 : index
    %swap3A_644 = vector.load %arg4[%swap3A_641, %swap3A_642, %swap3A_643] : memref<8x304x1xf32, #tpu.memory_space<vmem>>, vector<1x304x1xf32>
    %swap3A_645 = vector.shape_cast %swap3A_644 : vector<1x304x1xf32> to vector<304x1xf32>
    %swap3A_646 = vector.shape_cast %broadcast_in_dim3A_632 : vector<304x1xf32> to vector<1x304x1xf32>
    tpu.vector_store %arg4[%swap3A_641, %swap3A_642, %swap3A_643], %swap3A_646 {strides = array<i32>} : memref<8x304x1xf32, #tpu.memory_space<vmem>>, vector<1x304x1xf32>,
    %swap3A_647 = arith.constant 6 : index
    %swap3A_648 = arith.constant 0 : index
    %swap3A_649 = arith.constant 0 : index
    %swap3A_650 = vector.load %arg5[%swap3A_647, %swap3A_648, %swap3A_649] : memref<8x304x1xf32, #tpu.memory_space<vmem>>, vector<1x304x1xf32>
    %swap3A_651 = vector.shape_cast %swap3A_650 : vector<1x304x1xf32> to vector<304x1xf32>
    %swap3A_652 = vector.shape_cast %add3A_640 : vector<304x1xf32> to vector<1x304x1xf32>
    tpu.vector_store %arg5[%swap3A_647, %swap3A_648, %swap3A_649], %swap3A_652 {strides = array<i32>} : memref<8x304x1xf32, #tpu.memory_space<vmem>>, vector<1x304x1xf32>,
    %slice3A_653 = vector.extract_strided_slice %logistic3A_11 {offsets = [7, 0, 0], sizes = [1, 625, 128], strides = [1, 1, 1]} : vector<8x625x128xf32> to vector<1x625x128xf32>
    %squeeze3A_654 = vector.shape_cast %slice3A_653 : vector<1x625x128xf32> to vector<625x128xf32>
    %slice3A_655 = vector.extract_strided_slice %bitcast_convert_type3A {offsets = [7, 0, 0], sizes = [1, 1, 1], strides = [1, 1, 1]} : vector<8x1x1xf32> to vector<1x1x1xf32>
    %squeeze3A_656 = vector.shape_cast %slice3A_655 : vector<1x1x1xf32> to vector<1x1xf32>
    %slice3A_657 = vector.extract_strided_slice %convert_element_type3A_28 {offsets = [7, 0, 0], sizes = [1, 1, 1], strides = [1, 1, 1]} : vector<8x1x1xf32> to vector<1x1x1xf32>
    %squeeze3A_658 = vector.shape_cast %slice3A_657 : vector<1x1x1xf32> to vector<1x1xf32>
    %gt3A_659 = vector.broadcast %squeeze3A_656 : vector<1x1xf32> to vector<625x128xf32>
    %gt3A_660 = arith.cmpf ogt, %squeeze3A_654, %gt3A_659 : vector<625x128xf32>
    %convert_element_type3A_661 = arith.extui %gt3A_660 : vector<625x128xi1> to vector<625x128xi32>
    %convert_element_type3A_662 = arith.sitofp %convert_element_type3A_661 : vector<625x128xi32> to vector<625x128xf32>
    %eq3A_663 = vector.broadcast %squeeze3A_656 : vector<1x1xf32> to vector<625x128xf32>
    %eq3A_664 = arith.cmpf oeq, %squeeze3A_654, %eq3A_663 : vector<625x128xf32>
    %convert_element_type3A_665 = arith.extui %eq3A_664 : vector<625x128xi1> to vector<625x128xi32>
    %convert_element_type3A_666 = arith.sitofp %convert_element_type3A_665 : vector<625x128xi32> to vector<625x128xf32>
    %dot_general3A_667 = arith.constant dense<0.000000e+00> : vector<625x1xf32>
    %dot_general3A_668 = tpu.matmul %convert_element_type3A_666, %broadcast_in_dim3A_45, %dot_general3A_667 {dimension_numbers = #tpu.dot_dimension_numbers<[1], [0], [0], [1], [0, 0, 1, 1], [], []>, transpose_lhs_hint = false} : vector<625x128xf32>, vector<128x1xf32>, vector<625x1xf32> -> vector<625x1xf32>
    %dot_general3A_669 = arith.constant dense<0.000000e+00> : vector<625x1xf32>
    %dot_general3A_670 = tpu.matmul %convert_element_type3A_33, %dot_general3A_668, %dot_general3A_669 {dimension_numbers = #tpu.dot_dimension_numbers<[1], [0], [0], [1], [0, 0, 1, 1], [], []>, transpose_lhs_hint = false} : vector<625x625xf32>, vector<625x1xf32>, vector<625x1xf32> -> vector<625x1xf32>
    %dot_general3A_671 = arith.constant dense<0.000000e+00> : vector<625x128xf32>
    %dot_general3A_672 = tpu.matmul %convert_element_type3A_666, %convert_element_type3A_41, %dot_general3A_671 {dimension_numbers = #tpu.dot_dimension_numbers<[1], [0], [0], [1], [0, 0, 1, 1], [], []>, transpose_lhs_hint = false} : vector<625x128xf32>, vector<128x128xf32>, vector<625x128xf32> -> vector<625x128xf32>
    %add3A_673 = vector.broadcast %dot_general3A_670 : vector<625x1xf32> to vector<625x128xf32>
    %add3A_674 = arith.addf %add3A_673, %dot_general3A_672 : vector<625x128xf32>
    %lt3A_675 = vector.broadcast %squeeze3A_658 : vector<1x1xf32> to vector<625x128xf32>
    %lt3A_676 = arith.cmpf olt, %add3A_674, %lt3A_675 : vector<625x128xf32>
    %convert_element_type3A_677 = arith.extui %lt3A_676 : vector<625x128xi1> to vector<625x128xi32>
    %convert_element_type3A_678 = arith.sitofp %convert_element_type3A_677 : vector<625x128xi32> to vector<625x128xf32>
    %mul3A_679 = arith.mulf %convert_element_type3A_666, %convert_element_type3A_678 : vector<625x128xf32>
    %add3A_680 = arith.addf %convert_element_type3A_662, %mul3A_679 : vector<625x128xf32>
    %dot_general3A_681 = arith.constant dense<0.000000e+00> : vector<1x128xf32>
    %dot_general3A_682 = tpu.matmul %broadcast_in_dim3A_43, %add3A_680, %dot_general3A_681 {dimension_numbers = #tpu.dot_dimension_numbers<[1], [0], [0], [1], [0, 0, 1, 1], [], []>, transpose_lhs_hint = false} : vector<1x625xf32>, vector<625x128xf32>, vector<1x128xf32> -> vector<1x128xf32>
    %dot_general3A_683 = arith.constant dense<0.000000e+00> : vector<1x128xf32>
    %dot_general3A_684 = tpu.matmul %dot_general3A_682, %convert_element_type3A_38, %dot_general3A_683 {dimension_numbers = #tpu.dot_dimension_numbers<[1], [0], [0], [1], [0, 0, 1, 1], [], []>, precision = #tpu.contract_precision<fp32>, transpose_lhs_hint = false} : vector<1x128xf32>, vector<128x128xf32>, vector<1x128xf32> -> vector<1x128xf32>
    %dot_general3A_685 = arith.constant dense<0.000000e+00> : vector<625x128xf32>
    %dot_general3A_686 = tpu.matmul %convert_element_type3A_31, %add3A_680, %dot_general3A_685 {dimension_numbers = #tpu.dot_dimension_numbers<[1], [0], [0], [1], [0, 0, 1, 1], [], []>, transpose_lhs_hint = false} : vector<625x625xf32>, vector<625x128xf32>, vector<625x128xf32> -> vector<625x128xf32>
    %sub3A_687 = arith.subf %dot_general3A_686, %add3A_680 : vector<625x128xf32>
    %le3A_688 = vector.broadcast %dot_general3A_684 : vector<1x128xf32> to vector<304x128xf32>
    %le3A_689 = arith.cmpf ole, %le3A_688, %convert_element_type3A_47 : vector<304x128xf32>
    %add3A_690 = arith.addf %dot_general3A_684, %dot_general3A_682 : vector<1x128xf32>
    %lt3A_691 = vector.broadcast %add3A_690 : vector<1x128xf32> to vector<304x128xf32>
    %lt3A_692 = arith.cmpf olt, %convert_element_type3A_47, %lt3A_691 : vector<304x128xf32>
    %and3A_693 = arith.andi %le3A_689, %lt3A_692 : vector<304x128xi1>
    %convert_element_type3A_694 = arith.extui %and3A_693 : vector<304x128xi1> to vector<304x128xi32>
    %convert_element_type3A_695 = arith.sitofp %convert_element_type3A_694 : vector<304x128xi32> to vector<304x128xf32>
    %dot_general3A_696 = arith.constant dense<0.000000e+00> : vector<304x1xf32>
    %dot_general3A_697 = tpu.matmul %convert_element_type3A_695, %convert_element_type3A_49, %dot_general3A_696 {dimension_numbers = #tpu.dot_dimension_numbers<[1], [1], [0], [0], [0, 0, 1, 0], [], []>, transpose_lhs_hint = false} : vector<304x128xf32>, vector<1x128xf32>, vector<304x1xf32> -> vector<304x1xf32>
    %mul3A_698 = arith.mulf %convert_element_type3A_695, %convert_element_type3A_47 : vector<304x128xf32>
    %reduce_sum3A_699 = arith.constant dense<0.000000e+00> : vector<304xf32>
    %reduce_sum3A_700 = vector.multi_reduction <add>, %mul3A_698, %reduce_sum3A_699 [1] : vector<304x128xf32> to vector<304xf32>
    %broadcast_in_dim3A_701 = vector.shape_cast %reduce_sum3A_700 : vector<304xf32> to vector<304x1xf32>
    %dot_general3A_702 = arith.constant dense<0.000000e+00> : vector<304x1xf32>
    %dot_general3A_703 = tpu.matmul %convert_element_type3A_695, %dot_general3A_684, %dot_general3A_702 {dimension_numbers = #tpu.dot_dimension_numbers<[1], [1], [0], [0], [0, 0, 1, 0], [], []>, precision = #tpu.contract_precision<fp32>, transpose_lhs_hint = false} : vector<304x128xf32>, vector<1x128xf32>, vector<304x1xf32> -> vector<304x1xf32>
    %sub3A_704 = arith.subf %broadcast_in_dim3A_701, %dot_general3A_703 : vector<304x1xf32>
    %dot_general3A_705 = arith.constant dense<0.000000e+00> : vector<304x625xf32>
    %dot_general3A_706 = tpu.matmul %convert_element_type3A_695, %squeeze3A_654, %dot_general3A_705 {dimension_numbers = #tpu.dot_dimension_numbers<[1], [1], [0], [0], [0, 0, 1, 0], [], []>, precision = #tpu.contract_precision<fp32>, transpose_lhs_hint = false} : vector<304x128xf32>, vector<625x128xf32>, vector<304x625xf32> -> vector<304x625xf32>
    %dot_general3A_707 = arith.constant dense<0.000000e+00> : vector<304x625xf32>
    %dot_general3A_708 = tpu.matmul %convert_element_type3A_695, %sub3A_687, %dot_general3A_707 {dimension_numbers = #tpu.dot_dimension_numbers<[1], [1], [0], [0], [0, 0, 1, 0], [], []>, precision = #tpu.contract_precision<fp32>, transpose_lhs_hint = false} : vector<304x128xf32>, vector<625x128xf32>, vector<304x625xf32> -> vector<304x625xf32>
    %dot_general3A_709 = arith.constant dense<0.000000e+00> : vector<304x625xf32>
    %dot_general3A_710 = tpu.matmul %convert_element_type3A_695, %add3A_680, %dot_general3A_709 {dimension_numbers = #tpu.dot_dimension_numbers<[1], [1], [0], [0], [0, 0, 1, 0], [], []>, transpose_lhs_hint = false} : vector<304x128xf32>, vector<625x128xf32>, vector<304x625xf32> -> vector<304x625xf32>
    %eq3A_711 = vector.broadcast %sub3A_704 : vector<304x1xf32> to vector<304x625xf32>
    %eq3A_712 = arith.cmpf oeq, %dot_general3A_708, %eq3A_711 : vector<304x625xf32>
    %convert_element_type3A_713 = arith.extui %eq3A_712 : vector<304x625xi1> to vector<304x625xi32>
    %convert_element_type3A_714 = arith.sitofp %convert_element_type3A_713 : vector<304x625xi32> to vector<304x625xf32>
    %mul3A_715 = arith.mulf %dot_general3A_710, %convert_element_type3A_714 : vector<304x625xf32>
    %mul3A_716 = arith.mulf %mul3A_715, %dot_general3A_706 : vector<304x625xf32>
    %reduce_sum3A_717 = arith.constant dense<0.000000e+00> : vector<304xf32>
    %reduce_sum3A_718 = vector.multi_reduction <add>, %mul3A_716, %reduce_sum3A_717 [1] : vector<304x625xf32> to vector<304xf32>
    %broadcast_in_dim3A_719 = vector.shape_cast %reduce_sum3A_718 : vector<304xf32> to vector<304x1xf32>
    %mul3A_720 = arith.mulf %mul3A_715, %convert_element_type3A_51 : vector<304x625xf32>
    %reduce_sum3A_721 = arith.constant dense<0.000000e+00> : vector<304xf32>
    %reduce_sum3A_722 = vector.multi_reduction <add>, %mul3A_720, %reduce_sum3A_721 [1] : vector<304x625xf32> to vector<304xf32>
    %broadcast_in_dim3A_723 = vector.shape_cast %reduce_sum3A_722 : vector<304xf32> to vector<304x1xf32>
    %mul3A_724 = arith.constant 1.280000e+02 : f32
    %mul3A_725 = vector.broadcast %mul3A_724 : f32 to vector<304x1xf32>
    %mul3A_726 = arith.mulf %broadcast_in_dim3A_723, %mul3A_725 : vector<304x1xf32>
    %add3A_727 = arith.addf %mul3A_726, %dot_general3A_697 : vector<304x1xf32>
    %swap3A_728 = arith.constant 7 : index
    %swap3A_729 = arith.constant 0 : index
    %swap3A_730 = arith.constant 0 : index
    %swap3A_731 = vector.load %arg4[%swap3A_728, %swap3A_729, %swap3A_730] : memref<8x304x1xf32, #tpu.memory_space<vmem>>, vector<1x304x1xf32>
    %swap3A_732 = vector.shape_cast %swap3A_731 : vector<1x304x1xf32> to vector<304x1xf32>
    %swap3A_733 = vector.shape_cast %broadcast_in_dim3A_719 : vector<304x1xf32> to vector<1x304x1xf32>
    tpu.vector_store %arg4[%swap3A_728, %swap3A_729, %swap3A_730], %swap3A_733 {strides = array<i32>} : memref<8x304x1xf32, #tpu.memory_space<vmem>>, vector<1x304x1xf32>,
    %swap3A_734 = arith.constant 7 : index
    %swap3A_735 = arith.constant 0 : index
    %swap3A_736 = arith.constant 0 : index
    %swap3A_737 = vector.load %arg5[%swap3A_734, %swap3A_735, %swap3A_736] : memref<8x304x1xf32, #tpu.memory_space<vmem>>, vector<1x304x1xf32>
    %swap3A_738 = vector.shape_cast %swap3A_737 : vector<1x304x1xf32> to vector<304x1xf32>
    %swap3A_739 = vector.shape_cast %add3A_727 : vector<304x1xf32> to vector<1x304x1xf32>
    tpu.vector_store %arg5[%swap3A_734, %swap3A_735, %swap3A_736], %swap3A_739 {strides = array<i32>} : memref<8x304x1xf32, #tpu.memory_space<vmem>>, vector<1x304x1xf32>,
    %get3A_740 = arith.constant 0 : index
    %get3A_741 = arith.constant 0 : index
    %get3A_742 = arith.constant 0 : index
    %get3A_743 = vector.load %arg2[%get3A_740, %get3A_741, %get3A_742] : memref<8x4x1000xf32, #tpu.memory_space<vmem>>, vector<8x4x1000xf32>
    %slice3A_744 = vector.extract_strided_slice %get3A_743 {offsets = [0, 0, 0], sizes = [8, 1, 1000], strides = [1, 1, 1]} : vector<8x4x1000xf32> to vector<8x1x1000xf32>
    %mul3A_745 = vector.broadcast %get3A_2 : f32 to vector<8x1x1000xf32>
    %mul3A_746 = arith.mulf %slice3A_744, %mul3A_745 : vector<8x1x1000xf32>
    %slice3A_747 = vector.extract_strided_slice %get3A_743 {offsets = [0, 1, 0], sizes = [8, 1, 1000], strides = [1, 1, 1]} : vector<8x4x1000xf32> to vector<8x1x1000xf32>
    %mul3A_748 = vector.broadcast %get3A_0 : f32 to vector<8x1x1000xf32>
    %mul3A_749 = arith.mulf %slice3A_747, %mul3A_748 : vector<8x1x1000xf32>
    %slice3A_750 = vector.extract_strided_slice %get3A_743 {offsets = [0, 2, 0], sizes = [8, 1, 1000], strides = [1, 1, 1]} : vector<8x4x1000xf32> to vector<8x1x1000xf32>
    %mul3A_751 = vector.broadcast %get3A_2 : f32 to vector<8x1x1000xf32>
    %mul3A_752 = arith.mulf %slice3A_750, %mul3A_751 : vector<8x1x1000xf32>
    %slice3A_753 = vector.extract_strided_slice %get3A_743 {offsets = [0, 3, 0], sizes = [8, 1, 1000], strides = [1, 1, 1]} : vector<8x4x1000xf32> to vector<8x1x1000xf32>
    %mul3A_754 = vector.broadcast %get3A_0 : f32 to vector<8x1x1000xf32>
    %mul3A_755 = arith.mulf %slice3A_753, %mul3A_754 : vector<8x1x1000xf32>
    %div3A = arith.constant 2.000000e+00 : f32
    %div3A_756 = vector.broadcast %div3A : f32 to vector<8x1x1000xf32>
    %div3A_757 = arith.divf %mul3A_752, %div3A_756 : vector<8x1x1000xf32>
    %sub3A_758 = arith.subf %mul3A_746, %div3A_757 : vector<8x1x1000xf32>
    %floor3A = math.floor %sub3A_758 : vector<8x1x1000xf32>
    %max3A = arith.constant 1.000000e+00 : f32
    %max3A_759 = vector.broadcast %max3A : f32 to vector<8x1x1000xf32>
    %max3A_760 = arith.maximumf %floor3A, %max3A_759 : vector<8x1x1000xf32>
    %div3A_761 = arith.constant 2.000000e+00 : f32
    %div3A_762 = vector.broadcast %div3A_761 : f32 to vector<8x1x1000xf32>
    %div3A_763 = arith.divf %mul3A_755, %div3A_762 : vector<8x1x1000xf32>
    %sub3A_764 = arith.subf %mul3A_749, %div3A_763 : vector<8x1x1000xf32>
    %floor3A_765 = math.floor %sub3A_764 : vector<8x1x1000xf32>
    %max3A_766 = arith.constant 1.000000e+00 : f32
    %max3A_767 = vector.broadcast %max3A_766 : f32 to vector<8x1x1000xf32>
    %max3A_768 = arith.maximumf %floor3A_765, %max3A_767 : vector<8x1x1000xf32>
    %div3A_769 = arith.constant 2.000000e+00 : f32
    %div3A_770 = vector.broadcast %div3A_769 : f32 to vector<8x1x1000xf32>
    %div3A_771 = arith.divf %mul3A_752, %div3A_770 : vector<8x1x1000xf32>
    %add3A_772 = arith.addf %mul3A_746, %div3A_771 : vector<8x1x1000xf32>
    %ceil3A = math.ceil %add3A_772 : vector<8x1x1000xf32>
    %sub3A_773 = arith.constant 1.000000e+00 : f32
    %sub3A_774 = arith.subf %get3A_2, %sub3A_773 : f32
    %min3A = vector.broadcast %sub3A_774 : f32 to vector<8x1x1000xf32>
    %min3A_775 = arith.minimumf %ceil3A, %min3A : vector<8x1x1000xf32>
    %div3A_776 = arith.constant 2.000000e+00 : f32
    %div3A_777 = vector.broadcast %div3A_776 : f32 to vector<8x1x1000xf32>
    %div3A_778 = arith.divf %mul3A_755, %div3A_777 : vector<8x1x1000xf32>
    %add3A_779 = arith.addf %mul3A_749, %div3A_778 : vector<8x1x1000xf32>
    %ceil3A_780 = math.ceil %add3A_779 : vector<8x1x1000xf32>
    %sub3A_781 = arith.constant 1.000000e+00 : f32
    %sub3A_782 = arith.subf %get3A_0, %sub3A_781 : f32
    %min3A_783 = vector.broadcast %sub3A_782 : f32 to vector<8x1x1000xf32>
    %min3A_784 = arith.minimumf %ceil3A_780, %min3A_783 : vector<8x1x1000xf32>
    %concatenate3A = tpu.concatenate %max3A_760, %max3A_768, %min3A_775, %min3A_784 in 1 : vector<8x1x1000xf32>, vector<8x1x1000xf32>, vector<8x1x1000xf32>, vector<8x1x1000xf32> -> vector<8x4x1000xf32>
    %swap3A_785 = arith.constant 0 : index
    %swap3A_786 = arith.constant 0 : index
    %swap3A_787 = arith.constant 0 : index
    %swap3A_788 = vector.load %arg6[%swap3A_785, %swap3A_786, %swap3A_787] : memref<8x4x1000xf32, #tpu.memory_space<vmem>>, vector<8x4x1000xf32>
    tpu.vector_store %arg6[%swap3A_785, %swap3A_786, %swap3A_787], %concatenate3A {strides = array<i32>} : memref<8x4x1000xf32, #tpu.memory_space<vmem>>, vector<8x4x1000xf32>,
    return
  }
  func.func @transform_0(%arg0: i32) -> (i32, i32, i32) {
    %c0_i32 = arith.constant 0 : i32
    %c0_i32_0 = arith.constant 0 : i32
    %c0_i32_1 = arith.constant 0 : i32
    return %arg0, %c0_i32, %c0_i32_0 : i32, i32, i32
  }
  func.func @transform_1(%arg0: i32) -> (i32, i32, i32) {
    %c0_i32 = arith.constant 0 : i32
    %c0_i32_0 = arith.constant 0 : i32
    %c0_i32_1 = arith.constant 0 : i32
    return %arg0, %c0_i32, %c0_i32_0 : i32, i32, i32
  }
  func.func @transform_2(%arg0: i32) -> i32 {
    %c0_i32 = arith.constant 0 : i32
    %c0_i32_0 = arith.constant 0 : i32
    return %c0_i32 : i32
  }
  func.func @transform_3(%arg0: i32) -> (i32, i32, i32) {
    %c0_i32 = arith.constant 0 : i32
    %c0_i32_0 = arith.constant 0 : i32
    %c0_i32_1 = arith.constant 0 : i32
    return %arg0, %c0_i32, %c0_i32_0 : i32, i32, i32
  }
  func.func @transform_4(%arg0: i32) -> (i32, i32, i32) {
    %c0_i32 = arith.constant 0 : i32
    %c0_i32_0 = arith.constant 0 : i32
    %c0_i32_1 = arith.constant 0 : i32
    return %arg0, %c0_i32, %c0_i32_0 : i32, i32, i32
  }
  func.func @transform_5(%arg0: i32) -> (i32, i32, i32) {
    %c0_i32 = arith.constant 0 : i32
    %c0_i32_0 = arith.constant 0 : i32
    %c0_i32_1 = arith.constant 0 : i32
    return %arg0, %c0_i32, %c0_i32_0 : i32, i32, i32
  }
}

module attributes {stable_mosaic.version = 14 : i64} {
  func.func @_stage_b_body(%arg0: i32, %arg1: memref<1x304x1xf32, #tpu.memory_space<vmem>>, %arg2: memref<1x304x1xf32, #tpu.memory_space<vmem>>, %arg3: memref<1x1x300xi32, #tpu.memory_space<vmem>>, %arg4: memref<1x1x300xf32, #tpu.memory_space<vmem>>, %arg5: memref<1x1x304xi32, #tpu.memory_space<vmem>>) attributes {dimension_semantics = [#tpu.dimension_semantics<arbitrary>], iteration_bounds = array<i64: 32>, scalar_prefetch = 0 : i64, scratch_operands = 0 : i64, tpu.core_type = #tpu.core_type<tc>, window_params = [{transform_indices = @transform_0, window_bounds = array<i64: 1, 304, 1>}, {transform_indices = @transform_1, window_bounds = array<i64: 1, 304, 1>}, {transform_indices = @transform_2, window_bounds = array<i64: 1, 1, 300>}, {transform_indices = @transform_3, window_bounds = array<i64: 1, 1, 300>}, {transform_indices = @transform_4, window_bounds = array<i64: 1, 1, 304>}]} {
    %get3A = arith.constant 0 : index
    %get3A_0 = arith.constant 0 : index
    %get3A_1 = arith.constant 0 : index
    %get3A_2 = vector.load %arg1[%get3A, %get3A_0, %get3A_1] : memref<1x304x1xf32, #tpu.memory_space<vmem>>, vector<1x304x1xf32>
    %get3A_3 = vector.shape_cast %get3A_2 : vector<1x304x1xf32> to vector<304x1xf32>
    %slice3A = vector.extract_strided_slice %get3A_3 {offsets = [0, 0], sizes = [300, 1], strides = [1, 1]} : vector<304x1xf32> to vector<300x1xf32>
    %get3A_4 = arith.constant 0 : index
    %get3A_5 = arith.constant 0 : index
    %get3A_6 = arith.constant 0 : index
    %get3A_7 = vector.load %arg2[%get3A_4, %get3A_5, %get3A_6] : memref<1x304x1xf32, #tpu.memory_space<vmem>>, vector<1x304x1xf32>
    %get3A_8 = vector.shape_cast %get3A_7 : vector<1x304x1xf32> to vector<304x1xf32>
    %slice3A_9 = vector.extract_strided_slice %get3A_8 {offsets = [0, 0], sizes = [300, 1], strides = [1, 1]} : vector<304x1xf32> to vector<300x1xf32>
    %broadcast_in_dim3A = arith.constant 1.000000e+00 : f32
    %broadcast_in_dim3A_10 = vector.broadcast %broadcast_in_dim3A : f32 to vector<300x1xf32>
    %dot_general3A = arith.constant dense<0.000000e+00> : vector<300x300xf32>
    %dot_general3A_11 = tpu.matmul %slice3A, %broadcast_in_dim3A_10, %dot_general3A {dimension_numbers = #tpu.dot_dimension_numbers<[1], [1], [0], [0], [0, 0, 1, 0], [], []>, precision = #tpu.contract_precision<fp32>, transpose_lhs_hint = false} : vector<300x1xf32>, vector<300x1xf32>, vector<300x300xf32> -> vector<300x300xf32>
    %dot_general3A_12 = arith.constant dense<0.000000e+00> : vector<300x300xf32>
    %dot_general3A_13 = tpu.matmul %broadcast_in_dim3A_10, %slice3A, %dot_general3A_12 {dimension_numbers = #tpu.dot_dimension_numbers<[1], [1], [0], [0], [0, 0, 1, 0], [], []>, precision = #tpu.contract_precision<fp32>, transpose_lhs_hint = false} : vector<300x1xf32>, vector<300x1xf32>, vector<300x300xf32> -> vector<300x300xf32>
    %dot_general3A_14 = arith.constant dense<0.000000e+00> : vector<300x300xf32>
    %dot_general3A_15 = tpu.matmul %slice3A_9, %broadcast_in_dim3A_10, %dot_general3A_14 {dimension_numbers = #tpu.dot_dimension_numbers<[1], [1], [0], [0], [0, 0, 1, 0], [], []>, precision = #tpu.contract_precision<fp32>, transpose_lhs_hint = false} : vector<300x1xf32>, vector<300x1xf32>, vector<300x300xf32> -> vector<300x300xf32>
    %dot_general3A_16 = arith.constant dense<0.000000e+00> : vector<300x300xf32>
    %dot_general3A_17 = tpu.matmul %broadcast_in_dim3A_10, %slice3A_9, %dot_general3A_16 {dimension_numbers = #tpu.dot_dimension_numbers<[1], [1], [0], [0], [0, 0, 1, 0], [], []>, precision = #tpu.contract_precision<fp32>, transpose_lhs_hint = false} : vector<300x1xf32>, vector<300x1xf32>, vector<300x300xf32> -> vector<300x300xf32>
    %iota3A = tpu.iota {dimensions = array<i32: 1>} : vector<300x300xi32>
    %gt3A = arith.cmpf ogt, %dot_general3A_13, %dot_general3A_11 : vector<300x300xf32>
    %eq3A = arith.cmpf oeq, %dot_general3A_13, %dot_general3A_11 : vector<300x300xf32>
    %lt3A = arith.cmpf olt, %dot_general3A_17, %dot_general3A_15 : vector<300x300xf32>
    %and3A = arith.andi %eq3A, %lt3A : vector<300x300xi1>
    %or3A = arith.ori %gt3A, %and3A : vector<300x300xi1>
    %convert_element_type3A = arith.extui %or3A : vector<300x300xi1> to vector<300x300xi32>
    %reduce_sum3A = arith.constant dense<0> : vector<300xi32>
    %reduce_sum3A_18 = vector.multi_reduction <add>, %convert_element_type3A, %reduce_sum3A [1] : vector<300x300xi32> to vector<300xi32>
    %broadcast_in_dim3A_19 = vector.shape_cast %reduce_sum3A_18 : vector<300xi32> to vector<300x1xi32>
    %eq3A_20 = vector.broadcast %broadcast_in_dim3A_19 : vector<300x1xi32> to vector<300x300xi32>
    %eq3A_21 = arith.cmpi eq, %eq3A_20, %iota3A : vector<300x300xi32>
    %convert_element_type3A_22 = arith.extui %eq3A_21 : vector<300x300xi1> to vector<300x300xi32>
    %convert_element_type3A_23 = arith.sitofp %convert_element_type3A_22 : vector<300x300xi32> to vector<300x300xf32>
    %mul3A = arith.mulf %convert_element_type3A_23, %dot_general3A_11 : vector<300x300xf32>
    %reduce_sum3A_24 = arith.constant dense<0.000000e+00> : vector<300xf32>
    %reduce_sum3A_25 = vector.multi_reduction <add>, %mul3A, %reduce_sum3A_24 [0] : vector<300x300xf32> to vector<300xf32>
    %broadcast_in_dim3A_26 = vector.shape_cast %reduce_sum3A_25 : vector<300xf32> to vector<1x300xf32>
    %mul3A_27 = arith.mulf %convert_element_type3A_23, %dot_general3A_15 : vector<300x300xf32>
    %reduce_sum3A_28 = arith.constant dense<0.000000e+00> : vector<300xf32>
    %reduce_sum3A_29 = vector.multi_reduction <add>, %mul3A_27, %reduce_sum3A_28 [0] : vector<300x300xf32> to vector<300xf32>
    %broadcast_in_dim3A_30 = vector.shape_cast %reduce_sum3A_29 : vector<300xf32> to vector<1x300xf32>
    %div3A = arith.constant 8.000000e+01 : f32
    %div3A_31 = vector.broadcast %div3A : f32 to vector<1x300xf32>
    %div3A_32 = arith.divf %broadcast_in_dim3A_30, %div3A_31 : vector<1x300xf32>
    %floor3A = math.floor %div3A_32 : vector<1x300xf32>
    %mul3A_33 = arith.constant 8.000000e+01 : f32
    %mul3A_34 = vector.broadcast %mul3A_33 : f32 to vector<1x300xf32>
    %mul3A_35 = arith.mulf %mul3A_34, %floor3A : vector<1x300xf32>
    %sub3A = arith.subf %broadcast_in_dim3A_30, %mul3A_35 : vector<1x300xf32>
    %convert_element_type3A_36 = arith.fptosi %sub3A : vector<1x300xf32> to vector<1x300xi32>
    %broadcast_in_dim3A_37 = vector.shape_cast %convert_element_type3A_36 : vector<1x300xi32> to vector<1x1x300xi32>
    %swap3A = arith.constant 0 : index
    %swap3A_38 = arith.constant 0 : index
    %swap3A_39 = arith.constant 0 : index
    %swap3A_40 = vector.load %arg3[%swap3A, %swap3A_38, %swap3A_39] : memref<1x1x300xi32, #tpu.memory_space<vmem>>, vector<1x1x300xi32>
    tpu.vector_store %arg3[%swap3A, %swap3A_38, %swap3A_39], %broadcast_in_dim3A_37 {strides = array<i32>} : memref<1x1x300xi32, #tpu.memory_space<vmem>>, vector<1x1x300xi32>,
    %broadcast_in_dim3A_41 = vector.shape_cast %broadcast_in_dim3A_26 : vector<1x300xf32> to vector<1x1x300xf32>
    %swap3A_42 = arith.constant 0 : index
    %swap3A_43 = arith.constant 0 : index
    %swap3A_44 = arith.constant 0 : index
    %swap3A_45 = vector.load %arg4[%swap3A_42, %swap3A_43, %swap3A_44] : memref<1x1x300xf32, #tpu.memory_space<vmem>>, vector<1x1x300xf32>
    tpu.vector_store %arg4[%swap3A_42, %swap3A_43, %swap3A_44], %broadcast_in_dim3A_41 {strides = array<i32>} : memref<1x1x300xf32, #tpu.memory_space<vmem>>, vector<1x1x300xf32>,
    %convert_element_type3A_46 = arith.fptosi %floor3A : vector<1x300xf32> to vector<1x300xi32>
    %mul3A_47 = arith.constant 1000 : i32
    %mul3A_48 = arith.muli %arg0, %mul3A_47 : i32
    %add3A = vector.broadcast %mul3A_48 : i32 to vector<1x300xi32>
    %add3A_49 = arith.addi %convert_element_type3A_46, %add3A : vector<1x300xi32>
    %broadcast_in_dim3A_50 = arith.constant 0 : i32
    %broadcast_in_dim3A_51 = vector.broadcast %broadcast_in_dim3A_50 : i32 to vector<1x4xi32>
    %concatenate3A = tpu.concatenate %add3A_49, %broadcast_in_dim3A_51 in 1 : vector<1x300xi32>, vector<1x4xi32> -> vector<1x304xi32>
    %broadcast_in_dim3A_52 = vector.shape_cast %concatenate3A : vector<1x304xi32> to vector<1x1x304xi32>
    %swap3A_53 = arith.constant 0 : index
    %swap3A_54 = arith.constant 0 : index
    %swap3A_55 = arith.constant 0 : index
    %swap3A_56 = vector.load %arg5[%swap3A_53, %swap3A_54, %swap3A_55] : memref<1x1x304xi32, #tpu.memory_space<vmem>>, vector<1x1x304xi32>
    tpu.vector_store %arg5[%swap3A_53, %swap3A_54, %swap3A_55], %broadcast_in_dim3A_52 {strides = array<i32>} : memref<1x1x304xi32, #tpu.memory_space<vmem>>, vector<1x1x304xi32>,
    return
  }
  func.func @transform_0(%arg0: i32) -> (i32, i32, i32) {
    %c0_i32 = arith.constant 0 : i32
    %c0_i32_0 = arith.constant 0 : i32
    %c0_i32_1 = arith.constant 0 : i32
    return %arg0, %c0_i32, %c0_i32_0 : i32, i32, i32
  }
  func.func @transform_1(%arg0: i32) -> (i32, i32, i32) {
    %c0_i32 = arith.constant 0 : i32
    %c0_i32_0 = arith.constant 0 : i32
    %c0_i32_1 = arith.constant 0 : i32
    return %arg0, %c0_i32, %c0_i32_0 : i32, i32, i32
  }
  func.func @transform_2(%arg0: i32) -> (i32, i32, i32) {
    %c0_i32 = arith.constant 0 : i32
    %c0_i32_0 = arith.constant 0 : i32
    %c0_i32_1 = arith.constant 0 : i32
    return %arg0, %c0_i32, %c0_i32_0 : i32, i32, i32
  }
  func.func @transform_3(%arg0: i32) -> (i32, i32, i32) {
    %c0_i32 = arith.constant 0 : i32
    %c0_i32_0 = arith.constant 0 : i32
    %c0_i32_1 = arith.constant 0 : i32
    return %arg0, %c0_i32, %c0_i32_0 : i32, i32, i32
  }
  func.func @transform_4(%arg0: i32) -> (i32, i32, i32) {
    %c0_i32 = arith.constant 0 : i32
    %c0_i32_0 = arith.constant 0 : i32
    %c0_i32_1 = arith.constant 0 : i32
    return %arg0, %c0_i32, %c0_i32_0 : i32, i32, i32
  }
}

</mosaic_0001>

<sc_bundles>
// kernel: kernel.5.cloned.1.call-start
scs
__scs_entry_jumppad:
0x0: {  	(pc) =	sbr.rel $0x88, $3  }
0x1: {  	(tag) =	ssettag $0x0;
	lr =	simm.s32 $0x1  }
0x2: {  	[smem:$0x3F9D] =	sst lr;
	_ =	strace $0xD0000000  }
0x3: {  	_ = 	snop  }
0x4: {  	_ = 	snop  }
0x5: {  	_ = 	snop  }
0x6: {  	_ = 	snop  }
0x7: {  	_ = 	snop  }
__scs_overlays_trampoline_lowered:
0x8: {  	[smem:$0x3FAC] =	sst s0  }
0x9: {  	[smem:$0x3FAD] =	sst s1  }
0xa: {  	[smem:$0x3FAE] =	sst s2  }
0xb: {  	[smem:$0x3FAF] =	sst s3  }
0xc: {  	[smem:$0x3FB0] =	sst s4  }
0xd: {  	[smem:$0x3FB1] =	sst s5  }
0xe: {  	[smem:$0x3FB2] =	sst s6  }
0xf: {  	[smem:$0x3FB3] =	sst s7  }
0x10: {  	[smem:$0x3FB4] =	sst s8  }
0x11: {  	[smem:$0x3FB5] =	sst s9;
	s0 =	simm.s32 @!p0 $0x0  }
0x12: {  	s1 =	sld [smem:$0x3F9B];
	s0 =	simm.s32 @p0 $0x1  }
0x13: {  	[smem:$0x3FB6] =	sst s0;
	s0 =	simm.s32 @!p1 $0x0  }
0x14: {  	s2 =	sld [smem:$0x3F9A];
	s0 =	simm.s32 @p1 $0x1  }
0x15: {  	[smem:$0x3FB7] =	sst s0;
	s0 =	simm.s32 @!p2 $0x0  }
0x16: {  	s3 =	sld [smem:$0x3FDB];
	s0 =	simm.s32 @p2 $0x1  }
0x17: {  	s4 =	simm.s32 $0x1BF5;
	[smem:$0x3FB9] =	sst s0  }
0x18: {  	s0 =	sld [smem:$0x3F9C];
	_ =	swait.ge [sflag:s4], $0x0  }
0x19: {  	s7 =	sld [smem:$0x3F9D]  }
0x1a: {  	s8 =	sadd.s32 $0xFFFFE003, lr  }
0x1b: {  	s9 =	sadd.s32 $0xFFFFFEF7, lr;
	s5 =	simm.s32 $0xFFFFFFFF;
	p2 =	slt.u32 s8, $0xFFFFF086  }
0x1c: {  	p1 =	slt.u32 s9, $0xF7A;
	s5 =	simm.s32 @!p2 $0x0  }
0x1d: {  	s5 =	simm.s32 @p1 $0x1;
	p0 =	seq.s32 s7, s2  }
0x1e: {  	s7 =	smul.u32 @!p0 $0xF7A, s2;
	p2 =	seq.s32 @!p0 s5, $0x0  }
0x1f: {  	s9 =	smul.u32 $0xF7A, s1;
	s8 =	simm.s32 @!p0 $0x1BF5;
	p2 =	por !p2, p0  }
0x20: {  	[sflag:s8] =	ssyncset.s32 @!p0 $0xFFFFF086;
	s6 =	sadd.s32 @!p0 s3, s7;
	s7 =	simm.s32 @!p0 $0x108  }
0x21: {  	s3 =	sadd.s32 s3, s9;
	s6 =	sadd.s32 @!p0 $0x88, s6;
	s7 =	simm.s32 @p2 $0x1082  }
0x22: {  	[simem:s7], [sflag:s8] =	dma.local @!p0 [hbm:s6], $0xF7A  }
0x23: {  	s9 =	sor.u32 $0xD0000000, s2;
	s6 =	simm.s32 $0x108;
	_ =	swait.ge @!p0 [sflag:s8], $0x0  }
0x24: {  	s3 =	sadd.s32 $0x88, s3;
	s6 =	simm.s32 @!p1 $0x1082;
	[sflag:s4] =	ssyncset.s32 $0xFFFFF086  }
0x25: {  	[simem:s6], [sflag:s4] =	dma.local [hbm:s3], $0xF7A  }
0x26: {  	[smem:$0x3F9D] =	sst s1;
	(tag) =	ssettag s2;
	_ =	strace s9  }
0x27: {  	s1 =	sld [smem:$0x3FAD]  }
0x28: {  	s2 =	sld [smem:$0x3FAE]  }
0x29: {  	s4 =	sld [smem:$0x3FB0]  }
0x2a: {  	p0 =	seq.s32 s5, $0x0;
	s5 =	sld [smem:$0x3FB1]  }
0x2b: {  	s6 =	sld [smem:$0x3FB2]  }
0x2c: {  	s7 =	sld [smem:$0x3FB3]  }
0x2d: {  	s3 =	simm.s32 $0x108;
	s8 =	sld [smem:$0x3FB4]  }
0x2e: {  	s3 =	simm.s32 @!p0 $0x1082;
	s9 =	sld [smem:$0x3FB5]  }
0x2f: {  	lr =	sadd.s32 s0, s3;
	s0 =	sld [smem:$0x3FAC]  }
0x30: {  	s3 =	sld [smem:$0x3FAF]  }
0x31: {  	[smem:$0x3FB8] =	sst s10  }
0x32: {  	s10 =	sld [smem:$0x3FB6];
	_ =	sdelay $0x3  }
0x33: {  	p0 =	seq.s32 s10, $0x1;
	s10 =	sld [smem:$0x3FB8];
	_ =	sdelay $0x3  }
0x34: {  	[smem:$0x3FB8] =	sst s10  }
0x35: {  	s10 =	sld [smem:$0x3FB7];
	_ =	sdelay $0x3  }
0x36: {  	p1 =	seq.s32 s10, $0x1;
	s10 =	sld [smem:$0x3FB8];
	_ =	sdelay $0x3  }
0x37: {  	[smem:$0x3FB8] =	sst s10  }
0x38: {  	s10 =	sld [smem:$0x3FB9]  }
0x39: {  	_ = 	snop;
	(pc) =	sbr.ind lr, $3  }
0x3a: {  	_ = 	snop  }
0x3b: {  	_ = 	snop  }
0x3c: {  	p2 =	seq.s32 s10, $0x1;
	s10 =	sld [smem:$0x3FB8]  }
0x3d: {  	_ =	shalt  }
0x3e: {  	_ =	shalt  }
0x3f: {  	_ =	shalt  }
0x40: {  	_ =	shalt  }
0x41: {  	_ =	shalt  }
0x42: {  	_ =	shalt  }
0x43: {  	_ =	shalt  }
0x44: {  	_ =	shalt  }
0x45: {  	_ =	shalt  }
0x46: {  	_ =	shalt  }
0x47: {  	_ =	shalt  }
0x48: {  	_ =	shalt  }
0x49: {  	_ =	shalt  }
0x4a: {  	_ =	shalt  }
0x4b: {  	_ =	shalt  }
0x4c: {  	_ =	shalt  }
0x4d: {  	_ =	shalt  }
0x4e: {  	_ =	shalt  }
0x4f: {  	_ =	shalt  }
0x50: {  	_ =	shalt  }
0x51: {  	_ =	shalt  }
0x52: {  	_ =	shalt  }
0x53: {  	_ =	shalt  }
0x54: {  	_ =	shalt  }
0x55: {  	_ =	shalt  }
0x56: {  	_ =	shalt  }
0x57: {  	_ =	shalt  }
0x58: {  	_ =	shalt  }
0x59: {  	_ =	shalt  }
0x5a: {  	_ =	shalt  }
0x5b: {  	_ =	shalt  }
0x5c: {  	_ =	shalt  }
0x5d: {  	_ =	shalt  }
0x5e: {  	_ =	shalt  }
0x5f: {  	_ =	shalt  }
0x60: {  	_ =	shalt  }
0x61: {  	_ =	shalt  }
0x62: {  	_ =	shalt  }
0x63: {  	_ =	shalt  }
0x64: {  	_ =	shalt  }
0x65: {  	_ =	shalt  }
0x66: {  	_ =	shalt  }
0x67: {  	_ =	shalt  }
0x68: {  	_ =	shalt  }
0x69: {  	_ =	shalt  }
0x6a: {  	_ =	shalt  }
0x6b: {  	_ =	shalt  }
0x6c: {  	_ =	shalt  }
0x6d: {  	_ =	shalt  }
0x6e: {  	_ =	shalt  }
0x6f: {  	_ =	shalt  }
0x70: {  	_ =	shalt  }
0x71: {  	_ =	shalt  }
0x72: {  	_ =	shalt  }
0x73: {  	_ =	shalt  }
0x74: {  	_ =	shalt  }
0x75: {  	_ =	shalt  }
0x76: {  	_ =	shalt  }
0x77: {  	_ =	shalt  }
0x78: {  	_ =	shalt  }
0x79: {  	_ =	shalt  }
0x7a: {  	_ =	shalt  }
0x7b: {  	_ =	shalt  }
0x7c: {  	_ =	shalt  }
0x7d: {  	_ =	shalt  }
0x7e: {  	_ =	shalt  }
0x7f: {  	_ =	shalt  }
0x80: {  	_ =	shalt  }
0x81: {  	_ =	shalt  }
0x82: {  	_ =	shalt  }
0x83: {  	_ =	shalt  }
0x84: {  	_ =	shalt  }
0x85: {  	_ =	shalt  }
0x86: {  	_ =	shalt  }
0x87: {  	_ =	shalt  }
.Lfunc_end0:
.L_simem_size_0:
called_computation_lowered:
.L_overlay_start_0:
0x88: {  	s2 =	sld [smem:$0x3FD9]  }
0x89: {  	s3 =	sld [smem:$0x3FFE];
	_ =	sdelay $0x1  }
0x8a: {  	s1 =	srdreg.scid  }
0x8b: {  	s0 =	sand.u32 $0x1, s1  }
0x8c: {  	s14 =	sshll.u32 s0, $0xA;
	s2 =	sadd.s32 s3, s2  }
0x8d: {  	s2 =	sadd.s32 s2, s14  }
0x8e: {  	[smem:$0x3FC4] =	sst s2  }
0x8f: {  	_ = 	snop  }
0x90: {  	s2 =	sld [smem:$0x3FD0];
	_ =	sdelay $0x2  }
0x91: {  	s15 =	simm.s32 $0xA;
	s4 =	simm.s32 $0x10  }
0x92: {  	[smem:s4], [sflag:s15] =	dma.local [hbm:s2], $0x1  }
0x93: {  	_ =	swait.eq [sflag:s15], $0x1  }
0x94: {  	[sflag:s15] =	ssyncset.done $0x0  }
0x95: {  	[sflag:s15] =	ssyncadd.s32 $0xFFFFFFFF  }
0x96: {  	s16 =	sld [smem:$0x11];
	(tm) =	ssettm $0x1  }
0x97: {  	s17 =	sld [smem:$0x3FFB];
	_ =	sdelay $0x3  }
0x98: {  	_ =	strace s17  }
0x99: {  	s3 =	sld [smem:$0x3FFC];
	_ =	sdelay $0x3  }
0x9a: {  	_ =	strace s3  }
0x9b: {  	s3 =	sld [smem:$0x3FFD];
	_ =	sdelay $0x3  }
0x9c: {  	_ =	strace s3  }
0x9d: {  	_ =	strace $0x8FFFFFFF  }
0x9e: {  	s18 =	sld [smem:$0x3FDB];
	_ =	sdelay $0x1  }
0x9f: {  	s19 =	simm.s32 $_scs_section_size  }
0xa0: {  	s5 =	simm.s32 $_size__tile_overlayer_lowered;
	s6 =	simm.s32 $_tile_overlayer_lowered  }
0xa1: {  	s22 =	simm.s32 $0x1BFF;
	s21 =	sshll.u32 s6, $0x1;
	s3 =	sadd.s32 s19, s18  }
0xa2: {  	s7 =	simm.s32 $0x0;
	s20 =	sshll.u32 s5, $0x1;
	s5 =	sadd.s32 s21, s3  }
0xa3: {  	[timem:s7], [sflag:s22] =	dma.local [hbm:s5], s20  }
0xa4: {  	_ =	swait.ge [sflag:s22], s20  }
0xa5: {  	s4 =	ssub.s32 $0x0, s20;
	[sflag:s22] =	ssyncset.done $0x0  }
0xa6: {  	[sflag:s22] =	ssyncadd.s32 s4;
	_ =	sdelay $0x1  }
0xa7: {  	s23 =	simm.s32 $0x1B8B  }
0xa8: {  	_ =	swait.ge [sflag:s23], $0x1  }
0xa9: {  	[sflag:s23] =	ssyncset.done $0x0  }
0xaa: {  	s25 =	simm.s32 $0x1B8E;
	s24 =	sld [smem:$0x3FFE];
	[sflag:s23] =	ssyncadd.s32 $0xFFFFFFFF  }
0xab: {  	s26 =	simm.s32 $execute0_lowered;
	[smem:$0x3FD2] =	sst s25  }
0xac: {  	s5 =	sshll.u32 s26, $0x1;
	_ =	strace $0x80000046;
	[dreg:$0x1] =	wrdreg $0xFFFFFFFF  }
0xad: {  	s28 =	simm.s32 $_size_execute0_lowered;
	s3 =	sadd.s32 s3, s5;
	[dreg:$0x0] =	wrdreg $0x0  }
0xae: {  	s5 =	sshll.u32 s28, $0x1;
	[dreg:$0x2] =	wrdreg s3  }
0xaf: {  	[dreg:$0x3] =	wrdreg s5  }
0xb0: {  	[dreg:$0x4] =	wrdreg $0xC0  }
0xb1: {  	_ =	task [dreg:s7], $0x5FFFF  }
0xb2: {  	[dreg:$0x1] =	wrdreg $0xFFFFFFFF  }
0xb3: {  	[dreg:$0x0] =	wrdreg $0x60  }
0xb4: {  	[dreg:$0x2] =	wrdreg s24  }
0xb5: {  	[dreg:$0x3] =	wrdreg s16  }
0xb6: {  	[dreg:$0x4] =	wrdreg $0x9  }
0xb7: {  	_ =	task.clear_ibuf [dreg:s7], $0x5FFFF;
	_ =	strace $0x90000046  }
0xb8: {  	s29 =	simm.s32 $0x9;
	_ =	strace $0x80000048  }
0xb9: {  	_ =	swait.ge [sflag:s29], $0x1  }
0xba: {  	[sflag:s29] =	ssyncadd.s32 $0xFFFFFFFF  }
0xbb: {  	_ =	strace $0x90000048  }
0xbc: {  	_ =	sfence  }
0xbd: {  	s30 =	sld [smem:$0x0];
	_ =	sdelay $0x2  }
0xbe: {  	s31 =	sshll.u32 s1, $0xD;
	s1 =	sshrl.u32 s1, $0x2  }
0xbf: {  	s3 =	sand.u32 $0x4000, s31;
	s1 =	sadd.s32 s1, s30  }
0xc0: {  	s0 =	sor.u32 s3, s0;
	s1 =	sshll.u32 s1, $0x11  }
0xc1: {  	s0 =	sor.u32 s1, s0  }
0xc2: {  	s0 =	sadd.s32 $0x8F2B, s0  }
0xc3: {  	[sflag:s0] =	ssyncadd.remote.s32 $0x1  }
0xc4: {  	_ =	sfence.sel $0xFFFF  }
0xc5: {  	[dreg:$0x0] =	wrdreg $0xFFFFFFFF;
	(pc) =	sbr.abs _section_cstart, $3  }
0xc6: {  	[dreg:$0x1] =	wrdreg $0xFFFFFFFF  }
0xc7: {  	_ =	task.clear_ibuf [dreg:s7], $0x2FFFF;
	_ =	strace $0x9FFFFFFF  }
0xc8: {  	(tm) =	ssettm $0x7FFFFFFF  }
0xc9: {  	_ =	shalt  }
tec
execute0_lowered:
.L_overlay_start_1:
0x0: {  	(tag) =	ssettag $0x1  }
0x1: {  	s1 =	srdreg.scid;
	s0 =	stileid.u32  }
0x2: {  	s13 =	rddreg [dreg:$0x0];
	s14 =	sand.u32 $0x1, s1;
	s31 =	sshll.u32 s0, $0x1  }
0x3: {  	s3 =	rddreg [dreg:$0x1];
	s15 =	sor.u32 s14, s31  }
0x4: {  	s2 =	simm.s32 $0x0;
	s1 =	rddreg [dreg:$0x2];
	s4 =	smul.u32 $0x26, s15  }
0x5: {  	[smem:$0x7FF] =	sst s2  }
0x6: {  	_ =	strace $0x80000047;
	s4 =	sadd.s32 s3, s4;
	s3 =	simm.s32 $0x2  }
0x7: {  	[tilespmem:s2], [sflag:$0x2] =	stream.linear.gather [hbm4b:s4+s2], $0x130, $0x38;
	[tilespmem:$0x9980] =	vst v63  }
0x8: {  	_ =	swait.ge [sflag:s3], $0x130  }
0x9: {  	s6 =	simm.s32 $0x80;
	[sflag:s3] =	ssyncset.done $0x0  }
0xa: {  	s7 =	simm.s32 $0x180;
	s5 =	sadd.s32 $0x600, s13;
	[sflag:s3] =	ssyncadd.s32 $0xFFFFFED0  }
0xb: {  	[tilespmem:s7], [sflag:$0x1] =	stream.indirect.gather [hbm4b:s5+s6], $0x80, s2, s6, $0xb8;
	[tilespmem:$0x9980] =	vst v63  }
0xc: {  	s8 =	simm.s32 $0x4180;
	s9 =	simm.s32 $0x30  }
0xd: {  	[tilespmem:s8], [sflag:$0x1] =	stream.indirect.gather [hbm4b:s5+s6], $0x80, s6, s6, $0xb8;
	[tilespmem:$0x9980] =	vst v63  }
0xe: {  	s10 =	simm.s32 $0x100;
	s11 =	simm.s32 $0x8180;
	s12 =	simm.s32 $0x1  }
0xf: {  	[tilespmem:s11], [sflag:$0x1] =	stream.indirect.gather [hbm4b:s5+s9], $0x80, s10, s9, $0xb8;
	[tilespmem:$0x9980] =	vst v63  }
0x10: {  	_ =	swait.ge [sflag:s12], $0x4000  }
0x11: {  	[sflag:s12] =	ssyncset.done $0x0  }
0x12: {  	s14 =	ssub.s32 $0x2, s14;
	[sflag:s12] =	ssyncadd.s32 $0xFFFFC000  }
0x13: {  	s16 =	sshrl.u32 s14, $0x1;
	_ =	swait.ge [sflag:s12], $0x4000  }
0x14: {  	s14 =	ssub.s32 s14, s16;
	[sflag:s12] =	ssyncset.done $0x0  }
0x15: {  	s15 =	smul.u32 $0x1300, s15;
	s14 =	smax.u32 s14, $0x1;
	[sflag:s12] =	ssyncadd.s32 $0xFFFFC000  }
0x16: {  	p0 =	sne.s32 s14, $0x1;
	_ =	swait.ge [sflag:s12], $0x1800  }
.Ltmp0:
0x17: {  	s13 =	sadd.s32 s15, s13;
	[sflag:s12] =	ssyncset.done $0x0;
	(pc) =	sbr.rel @!p0 .LBB2_2-.Ltmp0, $4  }
0x18: {  	s13 =	sadd.s32 $0x7D600, s13;
	[sflag:s12] =	ssyncadd.s32 $0xFFFFE800  }
0x19: {  	[hbm4b:s13+s2] =	stream.linear.scatter [tilespmem:s7], [sflag:$0x2], $0x9800, $0x38;
	[tilespmem:$0x9980] =	vst v63  }
0x1a: {  	_ =	swait.ge [sflag:s3], $0x9800  }
0x1b: {  	s14 =	sadd.s32 $0xFFFFFFFF, s14;
	[sflag:s3] =	ssyncset.done $0x0  }
.LBB2_1:
0x1c: {  	p0 =	sne.s32 s14, $0x1;
	s14 =	sadd.s32 $0xFFFFFFFF, s14;
	[sflag:s3] =	ssyncadd.s32 $0xFFFF6800  }
0x1d: {  	[tilespmem:s2], [sflag:$0x2] =	stream.linear.gather [hbm4b:s4+s2], $0x130, $0x38;
	[tilespmem:$0x9980] =	vst v63  }
0x1e: {  	_ =	swait.ge [sflag:s3], $0x130  }
0x1f: {  	[sflag:s3] =	ssyncset.done $0x0  }
0x20: {  	[sflag:s3] =	ssyncadd.s32 $0xFFFFFED0  }
0x21: {  	[tilespmem:s7], [sflag:$0x1] =	stream.indirect.gather [hbm4b:s5+s6], $0x80, s2, s6, $0xb8;
	[tilespmem:$0x9980] =	vst v63  }
0x22: {  	_ = 	snop  }
0x23: {  	[tilespmem:s8], [sflag:$0x1] =	stream.indirect.gather [hbm4b:s5+s6], $0x80, s6, s6, $0xb8;
	[tilespmem:$0x9980] =	vst v63  }
0x24: {  	_ = 	snop  }
0x25: {  	[tilespmem:s11], [sflag:$0x1] =	stream.indirect.gather [hbm4b:s5+s9], $0x80, s10, s9, $0xb8;
	[tilespmem:$0x9980] =	vst v63  }
0x26: {  	_ =	swait.ge [sflag:s12], $0x4000  }
0x27: {  	[sflag:s12] =	ssyncset.done $0x0  }
0x28: {  	[sflag:s12] =	ssyncadd.s32 $0xFFFFC000  }
0x29: {  	_ =	swait.ge [sflag:s12], $0x4000  }
0x2a: {  	[sflag:s12] =	ssyncset.done $0x0  }
0x2b: {  	[sflag:s12] =	ssyncadd.s32 $0xFFFFC000  }
0x2c: {  	_ =	swait.ge [sflag:s12], $0x1800  }
.Ltmp1:
0x2d: {  	[sflag:s12] =	ssyncset.done $0x0;
	(pc) =	sbr.rel @p0 .LBB2_1-.Ltmp1, $4  }
0x2e: {  	[sflag:s12] =	ssyncadd.s32 $0xFFFFE800  }
0x2f: {  	[hbm4b:s13+s2] =	stream.linear.scatter [tilespmem:s7], [sflag:$0x2], $0x9800, $0x38;
	[tilespmem:$0x9980] =	vst v63  }
0x30: {  	_ =	swait.ge [sflag:s3], $0x9800  }
0x31: {  	[sflag:s3] =	ssyncset.done $0x0  }
.LBB2_2:
0x32: {  	[sflag:s3] =	ssyncadd.s32 $0xFFFF6800  }
0x33: {  	_ =	sfence.sel $0x180000  }
0x34: {  	[bflag:$0x0] =	sbarrier.arrive $0xFFFF  }
0x35: {  	p0 =	sne.s32 s0, $0x0;
	_ =	strace $0x90000047  }
0x36: {  	s0 =	sadd.s32 @!p0 $0x100000, s1;
	[bflag:$0x2] =	sbarrier.arrive $0xFFFF  }
0x37: {  	[sflag:s0] =	ssyncadd.tile.s32 @!p0 $0x1;
	_ =	shalt  }
.Lfunc_end2:
_tile_overlayer_lowered:
.L_overlay_start_2:
0x38: {  	(tag) =	ssettag $0x2  }
0x39: {  	s0 =	rddreg [dreg:$0x0];
	s2 =	stileid.u32  }
0x3a: {  	s1 =	rddreg [dreg:$0x1];
	p0 =	sne.s32 s2, $0x0  }
0x3b: {  	s3 =	rddreg [dreg:$0x2];
	[bflag:$0x3] =	sbarrier.arrive $0xFFFF;
	s2 =	simm.s32 @!p0 $0x1C02  }
0x3c: {  	[timem:s3], [sflag:s2] =	dma.local @!p0 [hbm:s0], s1  }
0x3d: {  	s0 =	simm.s32 @!p0 $0x2  }
0x3e: {  	_ =	swait.ge @!p0 [sflag:s0], s1  }
0x3f: {  	s1 =	ssub.s32 @!p0 $0x0, s1;
	[sflag:s0] =	ssyncset.done @!p0 $0x0  }
0x40: {  	[sflag:s0] =	ssyncadd.s32 @!p0 s1  }
0x41: {  	[bflag:$0x3] =	sbarrier.arrive $0xFFFF  }
0x42: {  	_ =	shalt  }

</sc_bundles>
